<compile_context>
chip_gen: v7x
topology: tpu7x:2x2x1
jax: 0.10.2.dev20260603
libtpu: 0.0.44.dev20260713+nightly
codegen_flags: <defaults>
</compile_context>

<pallas_src>
import functools

import jax
import jax.numpy as jnp
from jax import lax
from jax.experimental import pallas as pl
from jax.experimental.pallas import tpu as pltpu
from jax.experimental.pallas import tpu_sc as plsc

T = 4096
H = 768
F = 3072
E = 64
C = 80
S = E * C
NB = E + 1
NF = 4
FC = F // NF

NC = 2
NS = 16
NW = NC * NS
DISP_PER_W = S // NW
DISP_CHUNK = 80
COMB_PER_W = T // NW


def _router_body(x_ref, rw_ref, stt_ref, gslot_ref, dst_ref):
    xv = x_ref[...]
    logits = jnp.dot(xv, rw_ref[...], preferred_element_type=jnp.float32)

    lmax = jnp.max(logits, axis=1, keepdims=True)
    iota_e = lax.broadcasted_iota(jnp.int32, (T, E), 1)
    is_max = logits >= lmax
    eidx = jnp.min(jnp.where(is_max, iota_e, E), axis=1, keepdims=True)
    gate = 1.0 / jnp.sum(jnp.exp(logits - lmax), axis=1, keepdims=True)

    oh = (iota_e == eidx).astype(jnp.float32)

    CH = 512
    r_i = lax.broadcasted_iota(jnp.int32, (CH, CH), 0)
    c_i = lax.broadcasted_iota(jnp.int32, (CH, CH), 1)
    lt = (r_i >= c_i).astype(jnp.float32)
    carry = jnp.zeros((1, E), jnp.float32)
    cums = []
    for i in range(T // CH):
        blk = oh[i * CH:(i + 1) * CH]
        cb = jnp.dot(lt, blk, preferred_element_type=jnp.float32) + carry
        cums.append(cb)
        carry = cb[CH - 1:CH]
    cum = jnp.concatenate(cums, axis=0)

    p = (jnp.sum(oh * cum, axis=1, keepdims=True) - 1.0).astype(jnp.int32)
    keep = p < C

    iota_c = lax.broadcasted_iota(jnp.int32, (T, C), 1)
    pm = (p == iota_c).astype(jnp.float32)
    tokp1 = (lax.broadcasted_iota(jnp.int32, (T, 1), 0) + 1).astype(jnp.float32)

    dn = (((0,), (0,)), ((), ()))
    stt_f = lax.dot_general(oh, pm * tokp1, dn, precision=lax.Precision.HIGHEST,
                            preferred_element_type=jnp.float32) - 1.0
    stt_f = jnp.where(stt_f < 0.0, float(T), stt_f)
    g_f = lax.dot_general(oh, pm * gate, dn, precision=lax.Precision.HIGHEST,
                          preferred_element_type=jnp.float32)

    dst = jnp.where(keep, eidx * C + p, S)
    stt_ref[...] = stt_f.astype(jnp.int32)
    gslot_ref[...] = g_f
    dst_ref[...] = dst


def _sc_dispatch_body(x_hbm, stt_hbm, xb_hbm, idx_v, rows_v, sem):
    wid = lax.axis_index("s") * NC + lax.axis_index("c")
    base = wid * DISP_PER_W
    for j in range(DISP_PER_W // DISP_CHUNK):
        off = base + j * DISP_CHUNK
        pltpu.sync_copy(stt_hbm.at[pl.ds(off, DISP_CHUNK)], idx_v)
        pltpu.async_copy(x_hbm.at[idx_v], rows_v, sem).wait()
        pltpu.sync_copy(rows_v, xb_hbm.at[pl.ds(off, DISP_CHUNK)])


def _sc_combine_body(yb_hbm, dst_hbm, out_hbm, idx_v, rows_v, sem):
    wid = lax.axis_index("s") * NC + lax.axis_index("c")
    base = wid * COMB_PER_W
    pltpu.sync_copy(dst_hbm.at[pl.ds(base, COMB_PER_W)], idx_v)
    pltpu.async_copy(yb_hbm.at[idx_v], rows_v, sem).wait()
    pltpu.sync_copy(rows_v, out_hbm.at[pl.ds(base, COMB_PER_W)])


def _ffn_body(xb_ref, w1_ref, w2_ref, g_ref, out_ref, acc_ref):
    f = pl.program_id(1)
    h = jnp.dot(xb_ref[0], w1_ref[0], preferred_element_type=jnp.float32)
    h = h * (1.0 / (1.0 + jnp.exp(-h)))
    y = jnp.dot(h, w2_ref[0], preferred_element_type=jnp.float32)

    @pl.when(f == 0)
    def _():
        acc_ref[...] = y

    @pl.when(f != 0)
    def _():
        acc_ref[...] = acc_ref[...] + y

    @pl.when(f == NF - 1)
    def _():
        out_ref[0] = acc_ref[...] * jnp.reshape(g_ref[0, 0], (C, 1))


_router_call = pl.pallas_call(
    _router_body,
    out_shape=(
        jax.ShapeDtypeStruct((E, C), jnp.int32),
        jax.ShapeDtypeStruct((E, C), jnp.float32),
        jax.ShapeDtypeStruct((T, 1), jnp.int32),
    ),
)

_ffn_call = pl.pallas_call(
    _ffn_body,
    grid=(NB, NF),
    in_specs=[
        pl.BlockSpec((1, C, H), lambda e, f: (jnp.minimum(e, E - 1), 0, 0)),
        pl.BlockSpec((1, H, FC), lambda e, f: (jnp.minimum(e, E - 1), 0, f)),
        pl.BlockSpec((1, FC, H), lambda e, f: (jnp.minimum(e, E - 1), f, 0)),
        pl.BlockSpec((1, 1, C), lambda e, f: (e, 0, 0)),
    ],
    out_specs=pl.BlockSpec((1, C, H), lambda e, f: (e, 0, 0)),
    out_shape=jax.ShapeDtypeStruct((NB, C, H), jnp.float32),
    scratch_shapes=[pltpu.VMEM((C, H), jnp.float32)],
)

_sc_mesh = plsc.VectorSubcoreMesh(
    core_axis_name="c", subcore_axis_name="s", num_cores=NC, num_subcores=NS)

_dispatch_call = pl.kernel(
    _sc_dispatch_body,
    out_type=jax.ShapeDtypeStruct((S, H), jnp.float32),
    mesh=_sc_mesh,
    scratch_types=[
        pltpu.VMEM((DISP_CHUNK,), jnp.int32),
        pltpu.VMEM((DISP_CHUNK, H), jnp.float32),
        pltpu.SemaphoreType.DMA,
    ],
)

_combine_call = pl.kernel(
    _sc_combine_body,
    out_type=jax.ShapeDtypeStruct((T, H), jnp.float32),
    mesh=_sc_mesh,
    scratch_types=[
        pltpu.VMEM((COMB_PER_W,), jnp.int32),
        pltpu.VMEM((COMB_PER_W, H), jnp.float32),
        pltpu.SemaphoreType.DMA,
    ],
)


def kernel(x, router_w, w1, w2):
    stt, gslot, dst = _router_call(x, router_w)

    stt_flat = stt.reshape(S)
    dst_flat = dst.reshape(T)
    gpad = jnp.pad(gslot, ((0, 1), (0, 0))).reshape(NB, 1, C)
    x_ext = jnp.concatenate([x, jnp.zeros((8, H), x.dtype)], axis=0)

    xb = _dispatch_call(x_ext, stt_flat)
    yb = _ffn_call(xb.reshape(E, C, H), w1, w2, gpad)
    out = _combine_call(yb.reshape(NB * C, H), dst_flat)
    return out

# --- scband reference (transcript-rebuilt; emitter-appended) ---
"""Pipeline reference for scband-dynamic-mo-elayer-36481452213065 (READ-ONLY COPY).

The authoritative reference and input builder live on the scoring server;
editing this copy changes nothing except your own understanding.
"""

import jax, jax.numpy as jnp
import numpy as np

T = 4096       # tokens = batch(2) * seq_len(2048)
H = 768        # hidden_size
F = 3072       # intermediate_size (hidden_size * 4)
E = 64         # number of dynamically-registered experts
K = 1          # num_experts_per_tok
CF = 1.25      # capacity_factor
C = int(np.ceil(K * T / E * CF))  # expert capacity = 80


def setup_inputs(seed: int = 0) -> dict:
    key = jax.random.key(seed)
    k1, k2, k3, k4 = jax.random.split(key, 4)
    x = jax.random.normal(k1, (T, H), dtype=jnp.float32)
    router_w = jax.random.normal(k2, (H, E), dtype=jnp.float32) * 0.02
    w1 = jax.random.normal(k3, (E, H, F), dtype=jnp.float32) * 0.02
    w2 = jax.random.normal(k4, (E, F, H), dtype=jnp.float32) * 0.02
    return {"x": x, "router_w": router_w, "w1": w1, "w2": w2}


def _moe_forward(x, router_w, w1, w2):
    # Router: logits over all active experts (TopKRouter)
    logits = x @ router_w                      # [T, E]
    probs = jax.nn.softmax(logits, axis=-1)    # [T, E]
    gate_vals, expert_idx = jax.lax.top_k(probs, K)  # [T, K], [T, K]

    out = jnp.zeros_like(x)
    for k in range(K):
        eidx = expert_idx[:, k]                # [T] int32
        g = gate_vals[:, k]                    # [T]
        # position of each token within its chosen expert's buffer
        oh = jax.nn.one_hot(eidx, E, dtype=jnp.int32)           # [T, E]
        pos_all = jnp.cumsum(oh, axis=0) - 1                     # [T, E]
        p = jnp.take_along_axis(pos_all, eidx[:, None], axis=1)[:, 0]  # [T]
        keep = p < C                                             # capacity dropping
        p_safe = jnp.where(keep, p, C)
        # scatter tokens into per-expert buffers (overflow slot C is discarded)
        buf = jnp.zeros((E, C + 1, H), dtype=x.dtype)
        buf = buf.at[eidx, p_safe].set(x * keep[:, None].astype(x.dtype))
        xb = buf[:, :C]                                          # [E, C, H]
        # expert FeedForward: w2 @ silu(w1 @ x)
        h = jnp.einsum('ech,ehf->ecf', xb, w1)
        h = jax.nn.silu(h)
        yb = jnp.einsum('ecf,efh->ech', h, w2)                   # [E, C, H]
        # gather back to token order, weight by gate, zero dropped tokens
        y_tok = yb[eidx, jnp.minimum(p_safe, C - 1)]             # [T, H]
        out = out + jnp.where(keep[:, None], y_tok * g[:, None], 0.0)
    return out


def reference(x, router_w, w1, w2):
    return _moe_forward(x, router_w, w1, w2)

if __name__ == "__main__":
    import jax
    _d = setup_inputs()
    print(jax.jit(kernel)(*tuple(_d.values())))

</pallas_src>

<mosaic_0001>
#map = affine_map<(d0, d1) -> (0, 0)>
#map1 = affine_map<(d0, d1) -> (0)>
module attributes {stable_mosaic.version = 14 : i64} {
  func.func @_sc_dispatch_body(%arg0: i32, %arg1: i32, %arg2: memref<4104x768xf32, #tpu.memory_space<hbm>>, %arg3: memref<5120xi32, #tpu.memory_space<hbm>>, %arg4: memref<5120x768xf32, #tpu.memory_space<hbm>>, %arg5: memref<80xi32, #tpu.memory_space<vmem>>, %arg6: memref<80x768xf32, #tpu.memory_space<vmem>>, %arg7: memref<!tpu.dma_semaphore, #tpu.memory_space<semaphore_mem>>) attributes {dimension_semantics = [#tpu.dimension_semantics<core_parallel>, #tpu.dimension_semantics<subcore_parallel>], iteration_bounds = array<i64: 2, 16>, scalar_prefetch = 0 : i64, scratch_operands = 3 : i64, tpu.core_type = #tpu.core_type<sc_vector_subcore>, window_params = [{transform_indices = #map}, {transform_indices = #map1}, {transform_indices = #map}]} {
    %mul3A = arith.constant 2 : i32
    %mul3A_0 = arith.muli %arg1, %mul3A : i32
    %add3A = arith.addi %mul3A_0, %arg0 : i32
    %mul3A_1 = arith.constant 160 : i32
    %mul3A_2 = arith.muli %add3A, %mul3A_1 : i32
    %add3A_3 = arith.constant 0 : i32
    %add3A_4 = arith.addi %mul3A_2, %add3A_3 : i32
    "tpu.region"() ({
      %run_scoped3A = tpu.sem_alloc : memref<!tpu.dma_semaphore, #tpu.memory_space<semaphore_mem>>
      %dma_start3A_17 = tpu.memref_slice %arg3[%add3A_4] : memref<5120xi32, #tpu.memory_space<hbm>> -> memref<80xi32, #tpu.memory_space<hbm>>
      %dma_start3A_18 = tpu.memref_slice %arg3[%add3A_4] : memref<5120xi32, #tpu.memory_space<hbm>> -> memref<80xi32, #tpu.memory_space<hbm>>
      tpu.enqueue_dma source(%dma_start3A_18 : memref<80xi32, #tpu.memory_space<hbm>>) target(%arg5 : memref<80xi32, #tpu.memory_space<vmem>>) target_semaphore(%run_scoped3A : memref<!tpu.dma_semaphore, #tpu.memory_space<semaphore_mem>>)
      %dma_wait3A_19 = tpu.memref_slice %arg3[%add3A_4] : memref<5120xi32, #tpu.memory_space<hbm>> -> memref<80xi32, #tpu.memory_space<hbm>>
      %dma_wait3A_20 = tpu.memref_slice %arg3[%add3A_4] : memref<5120xi32, #tpu.memory_space<hbm>> -> memref<80xi32, #tpu.memory_space<hbm>>
      tpu.wait_dma2 semaphore(%run_scoped3A : memref<!tpu.dma_semaphore, #tpu.memory_space<semaphore_mem>>) src(%dma_wait3A_20 : memref<80xi32, #tpu.memory_space<hbm>>) dst(%arg5 : memref<80xi32, #tpu.memory_space<vmem>>)
      tpu.yield
    }) : () -> ()
    %dma_start3A = arith.constant 0 : i32
    %dma_start3A_5 = arith.constant 0 : i32
    %dma_start3A_6 = tpu.memref_slice %arg2[%dma_start3A, %dma_start3A_5] : memref<4104x768xf32, #tpu.memory_space<hbm>> -> memref<4104x768xf32, #tpu.memory_space<hbm>>
    tpu.enqueue_indirect_dma source(%dma_start3A_6 : memref<4104x768xf32, #tpu.memory_space<hbm>>) target(%arg6 : memref<80x768xf32, #tpu.memory_space<vmem>>) offsets(%arg5 : memref<80xi32, #tpu.memory_space<vmem>>) semaphore(%arg7 : memref<!tpu.dma_semaphore, #tpu.memory_space<semaphore_mem>>)
    %dma_wait3A = arith.constant 0 : i32
    %dma_wait3A_7 = arith.constant 0 : i32
    %dma_wait3A_8 = tpu.memref_slice %arg2[%dma_wait3A, %dma_wait3A_7] : memref<4104x768xf32, #tpu.memory_space<hbm>> -> memref<4104x768xf32, #tpu.memory_space<hbm>>
    tpu.wait_indirect_dma semaphore(%arg7 : memref<!tpu.dma_semaphore, #tpu.memory_space<semaphore_mem>>) src(%dma_wait3A_8 : memref<4104x768xf32, #tpu.memory_space<hbm>>) dst(%arg6 : memref<80x768xf32, #tpu.memory_space<vmem>>)
    "tpu.region"() ({
      %run_scoped3A = tpu.sem_alloc : memref<!tpu.dma_semaphore, #tpu.memory_space<semaphore_mem>>
      %dma_start3A_17 = arith.constant 0 : i32
      %dma_start3A_18 = tpu.memref_slice %arg4[%add3A_4, %dma_start3A_17] : memref<5120x768xf32, #tpu.memory_space<hbm>> -> memref<80x768xf32, #tpu.memory_space<hbm>>
      %dma_start3A_19 = arith.constant 0 : i32
      %dma_start3A_20 = tpu.memref_slice %arg4[%add3A_4, %dma_start3A_19] : memref<5120x768xf32, #tpu.memory_space<hbm>> -> memref<80x768xf32, #tpu.memory_space<hbm>>
      tpu.enqueue_dma source(%arg6 : memref<80x768xf32, #tpu.memory_space<vmem>>) target(%dma_start3A_20 : memref<80x768xf32, #tpu.memory_space<hbm>>) target_semaphore(%run_scoped3A : memref<!tpu.dma_semaphore, #tpu.memory_space<semaphore_mem>>)
      %dma_wait3A_21 = arith.constant 0 : i32
      %dma_wait3A_22 = tpu.memref_slice %arg4[%add3A_4, %dma_wait3A_21] : memref<5120x768xf32, #tpu.memory_space<hbm>> -> memref<80x768xf32, #tpu.memory_space<hbm>>
      %dma_wait3A_23 = arith.constant 0 : i32
      %dma_wait3A_24 = tpu.memref_slice %arg4[%add3A_4, %dma_wait3A_23] : memref<5120x768xf32, #tpu.memory_space<hbm>> -> memref<80x768xf32, #tpu.memory_space<hbm>>
      tpu.wait_dma2 semaphore(%run_scoped3A : memref<!tpu.dma_semaphore, #tpu.memory_space<semaphore_mem>>) src(%arg6 : memref<80x768xf32, #tpu.memory_space<vmem>>) dst(%dma_wait3A_24 : memref<80x768xf32, #tpu.memory_space<hbm>>)
      tpu.yield
    }) : () -> ()
    %add3A_9 = arith.constant 80 : i32
    %add3A_10 = arith.addi %mul3A_2, %add3A_9 : i32
    "tpu.region"() ({
      %run_scoped3A = tpu.sem_alloc : memref<!tpu.dma_semaphore, #tpu.memory_space<semaphore_mem>>
      %dma_start3A_17 = tpu.memref_slice %arg3[%add3A_10] : memref<5120xi32, #tpu.memory_space<hbm>> -> memref<80xi32, #tpu.memory_space<hbm>>
      %dma_start3A_18 = tpu.memref_slice %arg3[%add3A_10] : memref<5120xi32, #tpu.memory_space<hbm>> -> memref<80xi32, #tpu.memory_space<hbm>>
      tpu.enqueue_dma source(%dma_start3A_18 : memref<80xi32, #tpu.memory_space<hbm>>) target(%arg5 : memref<80xi32, #tpu.memory_space<vmem>>) target_semaphore(%run_scoped3A : memref<!tpu.dma_semaphore, #tpu.memory_space<semaphore_mem>>)
      %dma_wait3A_19 = tpu.memref_slice %arg3[%add3A_10] : memref<5120xi32, #tpu.memory_space<hbm>> -> memref<80xi32, #tpu.memory_space<hbm>>
      %dma_wait3A_20 = tpu.memref_slice %arg3[%add3A_10] : memref<5120xi32, #tpu.memory_space<hbm>> -> memref<80xi32, #tpu.memory_space<hbm>>
      tpu.wait_dma2 semaphore(%run_scoped3A : memref<!tpu.dma_semaphore, #tpu.memory_space<semaphore_mem>>) src(%dma_wait3A_20 : memref<80xi32, #tpu.memory_space<hbm>>) dst(%arg5 : memref<80xi32, #tpu.memory_space<vmem>>)
      tpu.yield
    }) : () -> ()
    %dma_start3A_11 = arith.constant 0 : i32
    %dma_start3A_12 = arith.constant 0 : i32
    %dma_start3A_13 = tpu.memref_slice %arg2[%dma_start3A_11, %dma_start3A_12] : memref<4104x768xf32, #tpu.memory_space<hbm>> -> memref<4104x768xf32, #tpu.memory_space<hbm>>
    tpu.enqueue_indirect_dma source(%dma_start3A_13 : memref<4104x768xf32, #tpu.memory_space<hbm>>) target(%arg6 : memref<80x768xf32, #tpu.memory_space<vmem>>) offsets(%arg5 : memref<80xi32, #tpu.memory_space<vmem>>) semaphore(%arg7 : memref<!tpu.dma_semaphore, #tpu.memory_space<semaphore_mem>>)
    %dma_wait3A_14 = arith.constant 0 : i32
    %dma_wait3A_15 = arith.constant 0 : i32
    %dma_wait3A_16 = tpu.memref_slice %arg2[%dma_wait3A_14, %dma_wait3A_15] : memref<4104x768xf32, #tpu.memory_space<hbm>> -> memref<4104x768xf32, #tpu.memory_space<hbm>>
    tpu.wait_indirect_dma semaphore(%arg7 : memref<!tpu.dma_semaphore, #tpu.memory_space<semaphore_mem>>) src(%dma_wait3A_16 : memref<4104x768xf32, #tpu.memory_space<hbm>>) dst(%arg6 : memref<80x768xf32, #tpu.memory_space<vmem>>)
    "tpu.region"() ({
      %run_scoped3A = tpu.sem_alloc : memref<!tpu.dma_semaphore, #tpu.memory_space<semaphore_mem>>
      %dma_start3A_17 = arith.constant 0 : i32
      %dma_start3A_18 = tpu.memref_slice %arg4[%add3A_10, %dma_start3A_17] : memref<5120x768xf32, #tpu.memory_space<hbm>> -> memref<80x768xf32, #tpu.memory_space<hbm>>
      %dma_start3A_19 = arith.constant 0 : i32
      %dma_start3A_20 = tpu.memref_slice %arg4[%add3A_10, %dma_start3A_19] : memref<5120x768xf32, #tpu.memory_space<hbm>> -> memref<80x768xf32, #tpu.memory_space<hbm>>
      tpu.enqueue_dma source(%arg6 : memref<80x768xf32, #tpu.memory_space<vmem>>) target(%dma_start3A_20 : memref<80x768xf32, #tpu.memory_space<hbm>>) target_semaphore(%run_scoped3A : memref<!tpu.dma_semaphore, #tpu.memory_space<semaphore_mem>>)
      %dma_wait3A_21 = arith.constant 0 : i32
      %dma_wait3A_22 = tpu.memref_slice %arg4[%add3A_10, %dma_wait3A_21] : memref<5120x768xf32, #tpu.memory_space<hbm>> -> memref<80x768xf32, #tpu.memory_space<hbm>>
      %dma_wait3A_23 = arith.constant 0 : i32
      %dma_wait3A_24 = tpu.memref_slice %arg4[%add3A_10, %dma_wait3A_23] : memref<5120x768xf32, #tpu.memory_space<hbm>> -> memref<80x768xf32, #tpu.memory_space<hbm>>
      tpu.wait_dma2 semaphore(%run_scoped3A : memref<!tpu.dma_semaphore, #tpu.memory_space<semaphore_mem>>) src(%arg6 : memref<80x768xf32, #tpu.memory_space<vmem>>) dst(%dma_wait3A_24 : memref<80x768xf32, #tpu.memory_space<hbm>>)
      tpu.yield
    }) : () -> ()
    return
  }
}

#map = affine_map<(d0, d1) -> (0, 0)>
#map1 = affine_map<(d0, d1) -> (0)>
module attributes {stable_mosaic.version = 14 : i64} {
  func.func @_sc_combine_body(%arg0: i32, %arg1: i32, %arg2: memref<5200x768xf32, #tpu.memory_space<hbm>>, %arg3: memref<4096xi32, #tpu.memory_space<hbm>>, %arg4: memref<4096x768xf32, #tpu.memory_space<hbm>>, %arg5: memref<128xi32, #tpu.memory_space<vmem>>, %arg6: memref<128x768xf32, #tpu.memory_space<vmem>>, %arg7: memref<!tpu.dma_semaphore, #tpu.memory_space<semaphore_mem>>) attributes {dimension_semantics = [#tpu.dimension_semantics<core_parallel>, #tpu.dimension_semantics<subcore_parallel>], iteration_bounds = array<i64: 2, 16>, scalar_prefetch = 0 : i64, scratch_operands = 3 : i64, tpu.core_type = #tpu.core_type<sc_vector_subcore>, window_params = [{transform_indices = #map}, {transform_indices = #map1}, {transform_indices = #map}]} {
    %mul3A = arith.constant 2 : i32
    %mul3A_0 = arith.muli %arg1, %mul3A : i32
    %add3A = arith.addi %mul3A_0, %arg0 : i32
    %mul3A_1 = arith.constant 128 : i32
    %mul3A_2 = arith.muli %add3A, %mul3A_1 : i32
    "tpu.region"() ({
      %run_scoped3A = tpu.sem_alloc : memref<!tpu.dma_semaphore, #tpu.memory_space<semaphore_mem>>
      %dma_start3A_7 = tpu.memref_slice %arg3[%mul3A_2] : memref<4096xi32, #tpu.memory_space<hbm>> -> memref<128xi32, #tpu.memory_space<hbm>>
      %dma_start3A_8 = tpu.memref_slice %arg3[%mul3A_2] : memref<4096xi32, #tpu.memory_space<hbm>> -> memref<128xi32, #tpu.memory_space<hbm>>
      tpu.enqueue_dma source(%dma_start3A_8 : memref<128xi32, #tpu.memory_space<hbm>>) target(%arg5 : memref<128xi32, #tpu.memory_space<vmem>>) target_semaphore(%run_scoped3A : memref<!tpu.dma_semaphore, #tpu.memory_space<semaphore_mem>>)
      %dma_wait3A_9 = tpu.memref_slice %arg3[%mul3A_2] : memref<4096xi32, #tpu.memory_space<hbm>> -> memref<128xi32, #tpu.memory_space<hbm>>
      %dma_wait3A_10 = tpu.memref_slice %arg3[%mul3A_2] : memref<4096xi32, #tpu.memory_space<hbm>> -> memref<128xi32, #tpu.memory_space<hbm>>
      tpu.wait_dma2 semaphore(%run_scoped3A : memref<!tpu.dma_semaphore, #tpu.memory_space<semaphore_mem>>) src(%dma_wait3A_10 : memref<128xi32, #tpu.memory_space<hbm>>) dst(%arg5 : memref<128xi32, #tpu.memory_space<vmem>>)
      tpu.yield
    }) : () -> ()
    %dma_start3A = arith.constant 0 : i32
    %dma_start3A_3 = arith.constant 0 : i32
    %dma_start3A_4 = tpu.memref_slice %arg2[%dma_start3A, %dma_start3A_3] : memref<5200x768xf32, #tpu.memory_space<hbm>> -> memref<5200x768xf32, #tpu.memory_space<hbm>>
    tpu.enqueue_indirect_dma source(%dma_start3A_4 : memref<5200x768xf32, #tpu.memory_space<hbm>>) target(%arg6 : memref<128x768xf32, #tpu.memory_space<vmem>>) offsets(%arg5 : memref<128xi32, #tpu.memory_space<vmem>>) semaphore(%arg7 : memref<!tpu.dma_semaphore, #tpu.memory_space<semaphore_mem>>)
    %dma_wait3A = arith.constant 0 : i32
    %dma_wait3A_5 = arith.constant 0 : i32
    %dma_wait3A_6 = tpu.memref_slice %arg2[%dma_wait3A, %dma_wait3A_5] : memref<5200x768xf32, #tpu.memory_space<hbm>> -> memref<5200x768xf32, #tpu.memory_space<hbm>>
    tpu.wait_indirect_dma semaphore(%arg7 : memref<!tpu.dma_semaphore, #tpu.memory_space<semaphore_mem>>) src(%dma_wait3A_6 : memref<5200x768xf32, #tpu.memory_space<hbm>>) dst(%arg6 : memref<128x768xf32, #tpu.memory_space<vmem>>)
    "tpu.region"() ({
      %run_scoped3A = tpu.sem_alloc : memref<!tpu.dma_semaphore, #tpu.memory_space<semaphore_mem>>
      %dma_start3A_7 = arith.constant 0 : i32
      %dma_start3A_8 = tpu.memref_slice %arg4[%mul3A_2, %dma_start3A_7] : memref<4096x768xf32, #tpu.memory_space<hbm>> -> memref<128x768xf32, #tpu.memory_space<hbm>>
      %dma_start3A_9 = arith.constant 0 : i32
      %dma_start3A_10 = tpu.memref_slice %arg4[%mul3A_2, %dma_start3A_9] : memref<4096x768xf32, #tpu.memory_space<hbm>> -> memref<128x768xf32, #tpu.memory_space<hbm>>
      tpu.enqueue_dma source(%arg6 : memref<128x768xf32, #tpu.memory_space<vmem>>) target(%dma_start3A_10 : memref<128x768xf32, #tpu.memory_space<hbm>>) target_semaphore(%run_scoped3A : memref<!tpu.dma_semaphore, #tpu.memory_space<semaphore_mem>>)
      %dma_wait3A_11 = arith.constant 0 : i32
      %dma_wait3A_12 = tpu.memref_slice %arg4[%mul3A_2, %dma_wait3A_11] : memref<4096x768xf32, #tpu.memory_space<hbm>> -> memref<128x768xf32, #tpu.memory_space<hbm>>
      %dma_wait3A_13 = arith.constant 0 : i32
      %dma_wait3A_14 = tpu.memref_slice %arg4[%mul3A_2, %dma_wait3A_13] : memref<4096x768xf32, #tpu.memory_space<hbm>> -> memref<128x768xf32, #tpu.memory_space<hbm>>
      tpu.wait_dma2 semaphore(%run_scoped3A : memref<!tpu.dma_semaphore, #tpu.memory_space<semaphore_mem>>) src(%arg6 : memref<128x768xf32, #tpu.memory_space<vmem>>) dst(%dma_wait3A_14 : memref<128x768xf32, #tpu.memory_space<hbm>>)
      tpu.yield
    }) : () -> ()
    return
  }
}

module attributes {stable_mosaic.version = 14 : i64} {
  func.func @_router_body(%arg0: memref<4096x768xf32, #tpu.memory_space<vmem>>, %arg1: memref<768x64xf32, #tpu.memory_space<vmem>>, %arg2: memref<64x80xi32, #tpu.memory_space<vmem>>, %arg3: memref<64x80xf32, #tpu.memory_space<vmem>>, %arg4: memref<4096x1xi32, #tpu.memory_space<vmem>>) attributes {dimension_semantics = [], scalar_prefetch = 0 : i64, scratch_operands = 0 : i64, tpu.core_type = #tpu.core_type<tc>} {
    %get3A = arith.constant 0 : index
    %get3A_0 = arith.constant 0 : index
    %get3A_1 = vector.load %arg0[%get3A, %get3A_0] : memref<4096x768xf32, #tpu.memory_space<vmem>>, vector<4096x768xf32>
    %get3A_2 = arith.constant 0 : index
    %get3A_3 = arith.constant 0 : index
    %get3A_4 = vector.load %arg1[%get3A_2, %get3A_3] : memref<768x64xf32, #tpu.memory_space<vmem>>, vector<768x64xf32>
    %dot_general3A = arith.constant dense<0.000000e+00> : vector<4096x64xf32>
    %dot_general3A_5 = tpu.matmul %get3A_1, %get3A_4, %dot_general3A {dimension_numbers = #tpu.dot_dimension_numbers<[1], [0], [0], [1], [0, 0, 1, 1], [], []>, transpose_lhs_hint = false} : vector<4096x768xf32>, vector<768x64xf32>, vector<4096x64xf32> -> vector<4096x64xf32>
    %reduce_max3A = arith.constant dense<0xFF800000> : vector<4096xf32>
    %reduce_max3A_6 = vector.multi_reduction <maximumf>, %dot_general3A_5, %reduce_max3A [1] : vector<4096x64xf32> to vector<4096xf32>
    %broadcast_in_dim3A = vector.shape_cast %reduce_max3A_6 : vector<4096xf32> to vector<4096x1xf32>
    %iota3A = tpu.iota {dimensions = array<i32: 1>} : vector<4096x64xi32>
    %ge3A = vector.broadcast %broadcast_in_dim3A : vector<4096x1xf32> to vector<4096x64xf32>
    %ge3A_7 = arith.cmpf oge, %dot_general3A_5, %ge3A : vector<4096x64xf32>
    %jit3A = arith.constant 64 : i32
    %broadcast_in_dim3A_8 = vector.broadcast %jit3A : i32 to vector<4096x64xi32>
    %select_n3A = arith.select %ge3A_7, %iota3A, %broadcast_in_dim3A_8 : vector<4096x64xi1>, vector<4096x64xi32>
    %reduce_min3A = arith.constant dense<2147483647> : vector<4096xi32>
    %reduce_min3A_9 = vector.multi_reduction <minsi>, %select_n3A, %reduce_min3A [1] : vector<4096x64xi32> to vector<4096xi32>
    %broadcast_in_dim3A_10 = vector.shape_cast %reduce_min3A_9 : vector<4096xi32> to vector<4096x1xi32>
    %sub3A = vector.broadcast %broadcast_in_dim3A : vector<4096x1xf32> to vector<4096x64xf32>
    %sub3A_11 = arith.subf %dot_general3A_5, %sub3A : vector<4096x64xf32>
    %exp3A = math.exp %sub3A_11 : vector<4096x64xf32>
    %reduce_sum3A = arith.constant dense<0.000000e+00> : vector<4096xf32>
    %reduce_sum3A_12 = vector.multi_reduction <add>, %exp3A, %reduce_sum3A [1] : vector<4096x64xf32> to vector<4096xf32>
    %broadcast_in_dim3A_13 = vector.shape_cast %reduce_sum3A_12 : vector<4096xf32> to vector<4096x1xf32>
    %div3A = arith.constant 1.000000e+00 : f32
    %div3A_14 = vector.broadcast %div3A : f32 to vector<4096x1xf32>
    %div3A_15 = arith.divf %div3A_14, %broadcast_in_dim3A_13 : vector<4096x1xf32>
    %eq3A = vector.broadcast %broadcast_in_dim3A_10 : vector<4096x1xi32> to vector<4096x64xi32>
    %eq3A_16 = arith.cmpi eq, %iota3A, %eq3A : vector<4096x64xi32>
    %convert_element_type3A = arith.extui %eq3A_16 : vector<4096x64xi1> to vector<4096x64xi32>
    %convert_element_type3A_17 = arith.sitofp %convert_element_type3A : vector<4096x64xi32> to vector<4096x64xf32>
    %iota3A_18 = tpu.iota {dimensions = array<i32: 0>} : vector<512x512xi32>
    %iota3A_19 = tpu.iota {dimensions = array<i32: 1>} : vector<512x512xi32>
    %ge3A_20 = arith.cmpi sge, %iota3A_18, %iota3A_19 : vector<512x512xi32>
    %convert_element_type3A_21 = arith.extui %ge3A_20 : vector<512x512xi1> to vector<512x512xi32>
    %convert_element_type3A_22 = arith.sitofp %convert_element_type3A_21 : vector<512x512xi32> to vector<512x512xf32>
    %broadcast_in_dim3A_23 = arith.constant 0.000000e+00 : f32
    %broadcast_in_dim3A_24 = vector.broadcast %broadcast_in_dim3A_23 : f32 to vector<1x64xf32>
    %slice3A = vector.extract_strided_slice %convert_element_type3A_17 {offsets = [0, 0], sizes = [512, 64], strides = [1, 1]} : vector<4096x64xf32> to vector<512x64xf32>
    %dot_general3A_25 = arith.constant dense<0.000000e+00> : vector<512x64xf32>
    %dot_general3A_26 = tpu.matmul %convert_element_type3A_22, %slice3A, %dot_general3A_25 {dimension_numbers = #tpu.dot_dimension_numbers<[1], [0], [0], [1], [0, 0, 1, 1], [], []>, transpose_lhs_hint = false} : vector<512x512xf32>, vector<512x64xf32>, vector<512x64xf32> -> vector<512x64xf32>
    %add3A = vector.broadcast %broadcast_in_dim3A_24 : vector<1x64xf32> to vector<512x64xf32>
    %add3A_27 = arith.addf %dot_general3A_26, %add3A : vector<512x64xf32>
    %slice3A_28 = vector.extract_strided_slice %add3A_27 {offsets = [511, 0], sizes = [1, 64], strides = [1, 1]} : vector<512x64xf32> to vector<1x64xf32>
    %slice3A_29 = vector.extract_strided_slice %convert_element_type3A_17 {offsets = [512, 0], sizes = [512, 64], strides = [1, 1]} : vector<4096x64xf32> to vector<512x64xf32>
    %dot_general3A_30 = arith.constant dense<0.000000e+00> : vector<512x64xf32>
    %dot_general3A_31 = tpu.matmul %convert_element_type3A_22, %slice3A_29, %dot_general3A_30 {dimension_numbers = #tpu.dot_dimension_numbers<[1], [0], [0], [1], [0, 0, 1, 1], [], []>, transpose_lhs_hint = false} : vector<512x512xf32>, vector<512x64xf32>, vector<512x64xf32> -> vector<512x64xf32>
    %add3A_32 = vector.broadcast %slice3A_28 : vector<1x64xf32> to vector<512x64xf32>
    %add3A_33 = arith.addf %dot_general3A_31, %add3A_32 : vector<512x64xf32>
    %slice3A_34 = vector.extract_strided_slice %add3A_33 {offsets = [511, 0], sizes = [1, 64], strides = [1, 1]} : vector<512x64xf32> to vector<1x64xf32>
    %slice3A_35 = vector.extract_strided_slice %convert_element_type3A_17 {offsets = [1024, 0], sizes = [512, 64], strides = [1, 1]} : vector<4096x64xf32> to vector<512x64xf32>
    %dot_general3A_36 = arith.constant dense<0.000000e+00> : vector<512x64xf32>
    %dot_general3A_37 = tpu.matmul %convert_element_type3A_22, %slice3A_35, %dot_general3A_36 {dimension_numbers = #tpu.dot_dimension_numbers<[1], [0], [0], [1], [0, 0, 1, 1], [], []>, transpose_lhs_hint = false} : vector<512x512xf32>, vector<512x64xf32>, vector<512x64xf32> -> vector<512x64xf32>
    %add3A_38 = vector.broadcast %slice3A_34 : vector<1x64xf32> to vector<512x64xf32>
    %add3A_39 = arith.addf %dot_general3A_37, %add3A_38 : vector<512x64xf32>
    %slice3A_40 = vector.extract_strided_slice %add3A_39 {offsets = [511, 0], sizes = [1, 64], strides = [1, 1]} : vector<512x64xf32> to vector<1x64xf32>
    %slice3A_41 = vector.extract_strided_slice %convert_element_type3A_17 {offsets = [1536, 0], sizes = [512, 64], strides = [1, 1]} : vector<4096x64xf32> to vector<512x64xf32>
    %dot_general3A_42 = arith.constant dense<0.000000e+00> : vector<512x64xf32>
    %dot_general3A_43 = tpu.matmul %convert_element_type3A_22, %slice3A_41, %dot_general3A_42 {dimension_numbers = #tpu.dot_dimension_numbers<[1], [0], [0], [1], [0, 0, 1, 1], [], []>, transpose_lhs_hint = false} : vector<512x512xf32>, vector<512x64xf32>, vector<512x64xf32> -> vector<512x64xf32>
    %add3A_44 = vector.broadcast %slice3A_40 : vector<1x64xf32> to vector<512x64xf32>
    %add3A_45 = arith.addf %dot_general3A_43, %add3A_44 : vector<512x64xf32>
    %slice3A_46 = vector.extract_strided_slice %add3A_45 {offsets = [511, 0], sizes = [1, 64], strides = [1, 1]} : vector<512x64xf32> to vector<1x64xf32>
    %slice3A_47 = vector.extract_strided_slice %convert_element_type3A_17 {offsets = [2048, 0], sizes = [512, 64], strides = [1, 1]} : vector<4096x64xf32> to vector<512x64xf32>
    %dot_general3A_48 = arith.constant dense<0.000000e+00> : vector<512x64xf32>
    %dot_general3A_49 = tpu.matmul %convert_element_type3A_22, %slice3A_47, %dot_general3A_48 {dimension_numbers = #tpu.dot_dimension_numbers<[1], [0], [0], [1], [0, 0, 1, 1], [], []>, transpose_lhs_hint = false} : vector<512x512xf32>, vector<512x64xf32>, vector<512x64xf32> -> vector<512x64xf32>
    %add3A_50 = vector.broadcast %slice3A_46 : vector<1x64xf32> to vector<512x64xf32>
    %add3A_51 = arith.addf %dot_general3A_49, %add3A_50 : vector<512x64xf32>
    %slice3A_52 = vector.extract_strided_slice %add3A_51 {offsets = [511, 0], sizes = [1, 64], strides = [1, 1]} : vector<512x64xf32> to vector<1x64xf32>
    %slice3A_53 = vector.extract_strided_slice %convert_element_type3A_17 {offsets = [2560, 0], sizes = [512, 64], strides = [1, 1]} : vector<4096x64xf32> to vector<512x64xf32>
    %dot_general3A_54 = arith.constant dense<0.000000e+00> : vector<512x64xf32>
    %dot_general3A_55 = tpu.matmul %convert_element_type3A_22, %slice3A_53, %dot_general3A_54 {dimension_numbers = #tpu.dot_dimension_numbers<[1], [0], [0], [1], [0, 0, 1, 1], [], []>, transpose_lhs_hint = false} : vector<512x512xf32>, vector<512x64xf32>, vector<512x64xf32> -> vector<512x64xf32>
    %add3A_56 = vector.broadcast %slice3A_52 : vector<1x64xf32> to vector<512x64xf32>
    %add3A_57 = arith.addf %dot_general3A_55, %add3A_56 : vector<512x64xf32>
    %slice3A_58 = vector.extract_strided_slice %add3A_57 {offsets = [511, 0], sizes = [1, 64], strides = [1, 1]} : vector<512x64xf32> to vector<1x64xf32>
    %slice3A_59 = vector.extract_strided_slice %convert_element_type3A_17 {offsets = [3072, 0], sizes = [512, 64], strides = [1, 1]} : vector<4096x64xf32> to vector<512x64xf32>
    %dot_general3A_60 = arith.constant dense<0.000000e+00> : vector<512x64xf32>
    %dot_general3A_61 = tpu.matmul %convert_element_type3A_22, %slice3A_59, %dot_general3A_60 {dimension_numbers = #tpu.dot_dimension_numbers<[1], [0], [0], [1], [0, 0, 1, 1], [], []>, transpose_lhs_hint = false} : vector<512x512xf32>, vector<512x64xf32>, vector<512x64xf32> -> vector<512x64xf32>
    %add3A_62 = vector.broadcast %slice3A_58 : vector<1x64xf32> to vector<512x64xf32>
    %add3A_63 = arith.addf %dot_general3A_61, %add3A_62 : vector<512x64xf32>
    %slice3A_64 = vector.extract_strided_slice %add3A_63 {offsets = [511, 0], sizes = [1, 64], strides = [1, 1]} : vector<512x64xf32> to vector<1x64xf32>
    %slice3A_65 = vector.extract_strided_slice %convert_element_type3A_17 {offsets = [3584, 0], sizes = [512, 64], strides = [1, 1]} : vector<4096x64xf32> to vector<512x64xf32>
    %dot_general3A_66 = arith.constant dense<0.000000e+00> : vector<512x64xf32>
    %dot_general3A_67 = tpu.matmul %convert_element_type3A_22, %slice3A_65, %dot_general3A_66 {dimension_numbers = #tpu.dot_dimension_numbers<[1], [0], [0], [1], [0, 0, 1, 1], [], []>, transpose_lhs_hint = false} : vector<512x512xf32>, vector<512x64xf32>, vector<512x64xf32> -> vector<512x64xf32>
    %add3A_68 = vector.broadcast %slice3A_64 : vector<1x64xf32> to vector<512x64xf32>
    %add3A_69 = arith.addf %dot_general3A_67, %add3A_68 : vector<512x64xf32>
    %concatenate3A = tpu.concatenate %add3A_27, %add3A_33, %add3A_39, %add3A_45, %add3A_51, %add3A_57, %add3A_63, %add3A_69 in 0 : vector<512x64xf32>, vector<512x64xf32>, vector<512x64xf32>, vector<512x64xf32>, vector<512x64xf32>, vector<512x64xf32>, vector<512x64xf32>, vector<512x64xf32> -> vector<4096x64xf32>
    %mul3A = arith.mulf %convert_element_type3A_17, %concatenate3A : vector<4096x64xf32>
    %reduce_sum3A_70 = arith.constant dense<0.000000e+00> : vector<4096xf32>
    %reduce_sum3A_71 = vector.multi_reduction <add>, %mul3A, %reduce_sum3A_70 [1] : vector<4096x64xf32> to vector<4096xf32>
    %broadcast_in_dim3A_72 = vector.shape_cast %reduce_sum3A_71 : vector<4096xf32> to vector<4096x1xf32>
    %sub3A_73 = arith.constant 1.000000e+00 : f32
    %sub3A_74 = vector.broadcast %sub3A_73 : f32 to vector<4096x1xf32>
    %sub3A_75 = arith.subf %broadcast_in_dim3A_72, %sub3A_74 : vector<4096x1xf32>
    %convert_element_type3A_76 = arith.fptosi %sub3A_75 : vector<4096x1xf32> to vector<4096x1xi32>
    %lt3A = arith.constant 80 : i32
    %lt3A_77 = vector.broadcast %lt3A : i32 to vector<4096x1xi32>
    %lt3A_78 = arith.cmpi slt, %convert_element_type3A_76, %lt3A_77 : vector<4096x1xi32>
    %iota3A_79 = tpu.iota {dimensions = array<i32: 1>} : vector<4096x80xi32>
    %eq3A_80 = vector.broadcast %convert_element_type3A_76 : vector<4096x1xi32> to vector<4096x80xi32>
    %eq3A_81 = arith.cmpi eq, %eq3A_80, %iota3A_79 : vector<4096x80xi32>
    %convert_element_type3A_82 = arith.extui %eq3A_81 : vector<4096x80xi1> to vector<4096x80xi32>
    %convert_element_type3A_83 = arith.sitofp %convert_element_type3A_82 : vector<4096x80xi32> to vector<4096x80xf32>
    %iota3A_84 = tpu.iota {dimensions = array<i32: 0>} : vector<4096x1xi32>
    %add3A_85 = arith.constant 1 : i32
    %add3A_86 = vector.broadcast %add3A_85 : i32 to vector<4096x1xi32>
    %add3A_87 = arith.addi %iota3A_84, %add3A_86 : vector<4096x1xi32>
    %convert_element_type3A_88 = arith.sitofp %add3A_87 : vector<4096x1xi32> to vector<4096x1xf32>
    %mul3A_89 = vector.broadcast %convert_element_type3A_88 : vector<4096x1xf32> to vector<4096x80xf32>
    %mul3A_90 = arith.mulf %convert_element_type3A_83, %mul3A_89 : vector<4096x80xf32>
    %dot_general3A_91 = arith.constant dense<0.000000e+00> : vector<64x80xf32>
    %dot_general3A_92 = tpu.matmul %convert_element_type3A_17, %mul3A_90, %dot_general3A_91 {dimension_numbers = #tpu.dot_dimension_numbers<[0], [0], [1], [1], [0, 1, 1, 1], [], []>, precision = #tpu.contract_precision<fp32>, transpose_lhs_hint = false} : vector<4096x64xf32>, vector<4096x80xf32>, vector<64x80xf32> -> vector<64x80xf32>
    %sub3A_93 = arith.constant 1.000000e+00 : f32
    %sub3A_94 = vector.broadcast %sub3A_93 : f32 to vector<64x80xf32>
    %sub3A_95 = arith.subf %dot_general3A_92, %sub3A_94 : vector<64x80xf32>
    %lt3A_96 = arith.constant 0.000000e+00 : f32
    %lt3A_97 = vector.broadcast %lt3A_96 : f32 to vector<64x80xf32>
    %lt3A_98 = arith.cmpf olt, %sub3A_95, %lt3A_97 : vector<64x80xf32>
    %jit3A_99 = arith.constant 4.096000e+03 : f32
    %broadcast_in_dim3A_100 = vector.broadcast %jit3A_99 : f32 to vector<64x80xf32>
    %select_n3A_101 = arith.select %lt3A_98, %broadcast_in_dim3A_100, %sub3A_95 : vector<64x80xi1>, vector<64x80xf32>
    %mul3A_102 = vector.broadcast %div3A_15 : vector<4096x1xf32> to vector<4096x80xf32>
    %mul3A_103 = arith.mulf %convert_element_type3A_83, %mul3A_102 : vector<4096x80xf32>
    %dot_general3A_104 = arith.constant dense<0.000000e+00> : vector<64x80xf32>
    %dot_general3A_105 = tpu.matmul %convert_element_type3A_17, %mul3A_103, %dot_general3A_104 {dimension_numbers = #tpu.dot_dimension_numbers<[0], [0], [1], [1], [0, 1, 1, 1], [], []>, precision = #tpu.contract_precision<fp32>, transpose_lhs_hint = false} : vector<4096x64xf32>, vector<4096x80xf32>, vector<64x80xf32> -> vector<64x80xf32>
    %mul3A_106 = arith.constant 80 : i32
    %mul3A_107 = vector.broadcast %mul3A_106 : i32 to vector<4096x1xi32>
    %mul3A_108 = arith.muli %broadcast_in_dim3A_10, %mul3A_107 : vector<4096x1xi32>
    %add3A_109 = arith.addi %mul3A_108, %convert_element_type3A_76 : vector<4096x1xi32>
    %jit3A_110 = arith.constant 5120 : i32
    %broadcast_in_dim3A_111 = vector.broadcast %jit3A_110 : i32 to vector<4096x1xi32>
    %select_n3A_112 = arith.select %lt3A_78, %add3A_109, %broadcast_in_dim3A_111 : vector<4096x1xi1>, vector<4096x1xi32>
    %convert_element_type3A_113 = arith.fptosi %select_n3A_101 : vector<64x80xf32> to vector<64x80xi32>
    %swap3A = arith.constant 0 : index
    %swap3A_114 = arith.constant 0 : index
    %swap3A_115 = vector.load %arg2[%swap3A, %swap3A_114] : memref<64x80xi32, #tpu.memory_space<vmem>>, vector<64x80xi32>
    tpu.vector_store %arg2[%swap3A, %swap3A_114], %convert_element_type3A_113 {strides = array<i32>} : memref<64x80xi32, #tpu.memory_space<vmem>>, vector<64x80xi32>,
    %swap3A_116 = arith.constant 0 : index
    %swap3A_117 = arith.constant 0 : index
    %swap3A_118 = vector.load %arg3[%swap3A_116, %swap3A_117] : memref<64x80xf32, #tpu.memory_space<vmem>>, vector<64x80xf32>
    tpu.vector_store %arg3[%swap3A_116, %swap3A_117], %dot_general3A_105 {strides = array<i32>} : memref<64x80xf32, #tpu.memory_space<vmem>>, vector<64x80xf32>,
    %swap3A_119 = arith.constant 0 : index
    %swap3A_120 = arith.constant 0 : index
    %swap3A_121 = vector.load %arg4[%swap3A_119, %swap3A_120] : memref<4096x1xi32, #tpu.memory_space<vmem>>, vector<4096x1xi32>
    tpu.vector_store %arg4[%swap3A_119, %swap3A_120], %select_n3A_112 {strides = array<i32>} : memref<4096x1xi32, #tpu.memory_space<vmem>>, vector<4096x1xi32>,
    return
  }
}

module attributes {stable_mosaic.version = 14 : i64} {
  func.func @_ffn_body(%arg0: i32, %arg1: i32, %arg2: memref<1x80x768xf32, #tpu.memory_space<vmem>>, %arg3: memref<1x768x768xf32, #tpu.memory_space<vmem>>, %arg4: memref<1x768x768xf32, #tpu.memory_space<vmem>>, %arg5: memref<1x1x80xf32, #tpu.memory_space<vmem>>, %arg6: memref<1x80x768xf32, #tpu.memory_space<vmem>>, %arg7: memref<80x768xf32, #tpu.memory_space<vmem>>) attributes {dimension_semantics = [#tpu.dimension_semantics<arbitrary>, #tpu.dimension_semantics<arbitrary>], iteration_bounds = array<i64: 65, 4>, scalar_prefetch = 0 : i64, scratch_operands = 1 : i64, tpu.core_type = #tpu.core_type<tc>, window_params = [{transform_indices = @transform_0, window_bounds = array<i64: 1, 80, 768>}, {transform_indices = @transform_1, window_bounds = array<i64: 1, 768, 768>}, {transform_indices = @transform_2, window_bounds = array<i64: 1, 768, 768>}, {transform_indices = @transform_3, window_bounds = array<i64: 1, 1, 80>}, {transform_indices = @transform_4, window_bounds = array<i64: 1, 80, 768>}]} {
    %get3A = arith.constant 0 : index
    %get3A_0 = arith.constant 0 : index
    %get3A_1 = arith.constant 0 : index
    %get3A_2 = vector.load %arg2[%get3A, %get3A_0, %get3A_1] : memref<1x80x768xf32, #tpu.memory_space<vmem>>, vector<1x80x768xf32>
    %get3A_3 = vector.shape_cast %get3A_2 : vector<1x80x768xf32> to vector<80x768xf32>
    %get3A_4 = arith.constant 0 : index
    %get3A_5 = arith.constant 0 : index
    %get3A_6 = arith.constant 0 : index
    %get3A_7 = vector.load %arg3[%get3A_4, %get3A_5, %get3A_6] : memref<1x768x768xf32, #tpu.memory_space<vmem>>, vector<1x768x768xf32>
    %get3A_8 = vector.shape_cast %get3A_7 : vector<1x768x768xf32> to vector<768x768xf32>
    %dot_general3A = arith.constant dense<0.000000e+00> : vector<80x768xf32>
    %dot_general3A_9 = tpu.matmul %get3A_3, %get3A_8, %dot_general3A {dimension_numbers = #tpu.dot_dimension_numbers<[1], [0], [0], [1], [0, 0, 1, 1], [], []>, transpose_lhs_hint = false} : vector<80x768xf32>, vector<768x768xf32>, vector<80x768xf32> -> vector<80x768xf32>
    %neg3A = arith.constant 0.000000e+00 : f32
    %neg3A_10 = vector.broadcast %neg3A : f32 to vector<80x768xf32>
    %neg3A_11 = arith.subf %neg3A_10, %dot_general3A_9 : vector<80x768xf32>
    %exp3A = math.exp %neg3A_11 : vector<80x768xf32>
    %add3A = arith.constant 1.000000e+00 : f32
    %add3A_12 = vector.broadcast %add3A : f32 to vector<80x768xf32>
    %add3A_13 = arith.addf %add3A_12, %exp3A : vector<80x768xf32>
    %div3A = arith.constant 1.000000e+00 : f32
    %div3A_14 = vector.broadcast %div3A : f32 to vector<80x768xf32>
    %div3A_15 = arith.divf %div3A_14, %add3A_13 : vector<80x768xf32>
    %mul3A = arith.mulf %dot_general3A_9, %div3A_15 : vector<80x768xf32>
    %get3A_16 = arith.constant 0 : index
    %get3A_17 = arith.constant 0 : index
    %get3A_18 = arith.constant 0 : index
    %get3A_19 = vector.load %arg4[%get3A_16, %get3A_17, %get3A_18] : memref<1x768x768xf32, #tpu.memory_space<vmem>>, vector<1x768x768xf32>
    %get3A_20 = vector.shape_cast %get3A_19 : vector<1x768x768xf32> to vector<768x768xf32>
    %dot_general3A_21 = arith.constant dense<0.000000e+00> : vector<80x768xf32>
    %dot_general3A_22 = tpu.matmul %mul3A, %get3A_20, %dot_general3A_21 {dimension_numbers = #tpu.dot_dimension_numbers<[1], [0], [0], [1], [0, 0, 1, 1], [], []>, transpose_lhs_hint = false} : vector<80x768xf32>, vector<768x768xf32>, vector<80x768xf32> -> vector<80x768xf32>
    %eq3A = arith.constant 0 : i32
    %eq3A_23 = arith.cmpi eq, %arg1, %eq3A : i32
    %convert_element_type3A = arith.extui %eq3A_23 : i1 to i32
    %cond3A = arith.constant 0 : i32
    %cond3A_24 = arith.cmpi ne, %convert_element_type3A, %cond3A : i32
    scf.if %cond3A_24 {
      %swap3A = arith.constant 0 : index
      %swap3A_34 = arith.constant 0 : index
      %swap3A_35 = vector.load %arg7[%swap3A, %swap3A_34] : memref<80x768xf32, #tpu.memory_space<vmem>>, vector<80x768xf32>
      tpu.vector_store %arg7[%swap3A, %swap3A_34], %dot_general3A_22 {strides = array<i32>} : memref<80x768xf32, #tpu.memory_space<vmem>>, vector<80x768xf32>,
    } else {
    }
    %ne3A = arith.constant 0 : i32
    %ne3A_25 = arith.cmpi ne, %arg1, %ne3A : i32
    %convert_element_type3A_26 = arith.extui %ne3A_25 : i1 to i32
    %cond3A_27 = arith.constant 0 : i32
    %cond3A_28 = arith.cmpi ne, %convert_element_type3A_26, %cond3A_27 : i32
    scf.if %cond3A_28 {
      %get3A_34 = arith.constant 0 : index
      %get3A_35 = arith.constant 0 : index
      %get3A_36 = vector.load %arg7[%get3A_34, %get3A_35] : memref<80x768xf32, #tpu.memory_space<vmem>>, vector<80x768xf32>
      %add3A_37 = arith.addf %get3A_36, %dot_general3A_22 : vector<80x768xf32>
      %swap3A = arith.constant 0 : index
      %swap3A_38 = arith.constant 0 : index
      %swap3A_39 = vector.load %arg7[%swap3A, %swap3A_38] : memref<80x768xf32, #tpu.memory_space<vmem>>, vector<80x768xf32>
      tpu.vector_store %arg7[%swap3A, %swap3A_38], %add3A_37 {strides = array<i32>} : memref<80x768xf32, #tpu.memory_space<vmem>>, vector<80x768xf32>,
    } else {
    }
    %eq3A_29 = arith.constant 3 : i32
    %eq3A_30 = arith.cmpi eq, %arg1, %eq3A_29 : i32
    %convert_element_type3A_31 = arith.extui %eq3A_30 : i1 to i32
    %cond3A_32 = arith.constant 0 : i32
    %cond3A_33 = arith.cmpi ne, %convert_element_type3A_31, %cond3A_32 : i32
    scf.if %cond3A_33 {
      %get3A_34 = arith.constant 0 : index
      %get3A_35 = arith.constant 0 : index
      %get3A_36 = vector.load %arg7[%get3A_34, %get3A_35] : memref<80x768xf32, #tpu.memory_space<vmem>>, vector<80x768xf32>
      %get3A_37 = arith.constant 0 : index
      %get3A_38 = arith.constant 0 : index
      %get3A_39 = arith.constant 0 : index
      %get3A_40 = vector.load %arg5[%get3A_37, %get3A_38, %get3A_39] : memref<1x1x80xf32, #tpu.memory_space<vmem>>, vector<1x1x80xf32>
      %get3A_41 = vector.shape_cast %get3A_40 : vector<1x1x80xf32> to vector<80xf32>
      %reshape3A = vector.shape_cast %get3A_41 : vector<80xf32> to vector<80x1xf32>
      %mul3A_42 = vector.broadcast %reshape3A : vector<80x1xf32> to vector<80x768xf32>
      %mul3A_43 = arith.mulf %get3A_36, %mul3A_42 : vector<80x768xf32>
      %swap3A = arith.constant 0 : index
      %swap3A_44 = arith.constant 0 : index
      %swap3A_45 = arith.constant 0 : index
      %swap3A_46 = vector.load %arg6[%swap3A, %swap3A_44, %swap3A_45] : memref<1x80x768xf32, #tpu.memory_space<vmem>>, vector<1x80x768xf32>
      %swap3A_47 = vector.shape_cast %swap3A_46 : vector<1x80x768xf32> to vector<80x768xf32>
      %swap3A_48 = vector.shape_cast %mul3A_43 : vector<80x768xf32> to vector<1x80x768xf32>
      tpu.vector_store %arg6[%swap3A, %swap3A_44, %swap3A_45], %swap3A_48 {strides = array<i32>} : memref<1x80x768xf32, #tpu.memory_space<vmem>>, vector<1x80x768xf32>,
    } else {
    }
    return
  }
  func.func @transform_0(%arg0: i32, %arg1: i32) -> (i32, i32, i32) {
    %min3A = arith.constant 63 : i32
    %min3A_0 = arith.minsi %arg0, %min3A : i32
    %c0_i32 = arith.constant 0 : i32
    %c0_i32_1 = arith.constant 0 : i32
    %c0_i32_2 = arith.constant 0 : i32
    return %min3A_0, %c0_i32, %c0_i32_1 : i32, i32, i32
  }
  func.func @transform_1(%arg0: i32, %arg1: i32) -> (i32, i32, i32) {
    %min3A = arith.constant 63 : i32
    %min3A_0 = arith.minsi %arg0, %min3A : i32
    %c0_i32 = arith.constant 0 : i32
    %c0_i32_1 = arith.constant 0 : i32
    return %min3A_0, %c0_i32, %arg1 : i32, i32, i32
  }
  func.func @transform_2(%arg0: i32, %arg1: i32) -> (i32, i32, i32) {
    %min3A = arith.constant 63 : i32
    %min3A_0 = arith.minsi %arg0, %min3A : i32
    %c0_i32 = arith.constant 0 : i32
    %c0_i32_1 = arith.constant 0 : i32
    return %min3A_0, %arg1, %c0_i32 : i32, i32, i32
  }
  func.func @transform_3(%arg0: i32, %arg1: i32) -> (i32, i32, i32) {
    %c0_i32 = arith.constant 0 : i32
    %c0_i32_0 = arith.constant 0 : i32
    %c0_i32_1 = arith.constant 0 : i32
    return %arg0, %c0_i32, %c0_i32_0 : i32, i32, i32
  }
  func.func @transform_4(%arg0: i32, %arg1: i32) -> (i32, i32, i32) {
    %c0_i32 = arith.constant 0 : i32
    %c0_i32_0 = arith.constant 0 : i32
    %c0_i32_1 = arith.constant 0 : i32
    return %arg0, %c0_i32, %c0_i32_0 : i32, i32, i32
  }
}

</mosaic_0001>

<sc_bundles>
// kernel: kernel.6.cloned.1.call-start
scs
__scs_entry_jumppad:
0x0: {  	(pc) =	sbr.rel $0x88, $3  }
0x1: {  	(tag) =	ssettag $0x0;
	lr =	simm.s32 $0x1  }
0x2: {  	[smem:$0x3F9D] =	sst lr;
	_ =	strace $0xD0000000  }
0x3: {  	_ = 	snop  }
0x4: {  	_ = 	snop  }
0x5: {  	_ = 	snop  }
0x6: {  	_ = 	snop  }
0x7: {  	_ = 	snop  }
__scs_overlays_trampoline_lowered:
0x8: {  	[smem:$0x3FAC] =	sst s0  }
0x9: {  	[smem:$0x3FAD] =	sst s1  }
0xa: {  	[smem:$0x3FAE] =	sst s2  }
0xb: {  	[smem:$0x3FAF] =	sst s3  }
0xc: {  	[smem:$0x3FB0] =	sst s4  }
0xd: {  	[smem:$0x3FB1] =	sst s5  }
0xe: {  	[smem:$0x3FB2] =	sst s6  }
0xf: {  	[smem:$0x3FB3] =	sst s7  }
0x10: {  	[smem:$0x3FB4] =	sst s8  }
0x11: {  	[smem:$0x3FB5] =	sst s9;
	s0 =	simm.s32 @!p0 $0x0  }
0x12: {  	s1 =	sld [smem:$0x3F9B];
	s0 =	simm.s32 @p0 $0x1  }
0x13: {  	[smem:$0x3FB6] =	sst s0;
	s0 =	simm.s32 @!p1 $0x0  }
0x14: {  	s2 =	sld [smem:$0x3F9A];
	s0 =	simm.s32 @p1 $0x1  }
0x15: {  	[smem:$0x3FB7] =	sst s0;
	s0 =	simm.s32 @!p2 $0x0  }
0x16: {  	s3 =	sld [smem:$0x3FDB];
	s0 =	simm.s32 @p2 $0x1  }
0x17: {  	s4 =	simm.s32 $0x1BF5;
	[smem:$0x3FB9] =	sst s0  }
0x18: {  	s0 =	sld [smem:$0x3F9C];
	_ =	swait.ge [sflag:s4], $0x0  }
0x19: {  	s7 =	sld [smem:$0x3F9D]  }
0x1a: {  	s8 =	sadd.s32 $0xFFFFE003, lr  }
0x1b: {  	s9 =	sadd.s32 $0xFFFFFEF7, lr;
	s5 =	simm.s32 $0xFFFFFFFF;
	p2 =	slt.u32 s8, $0xFFFFF086  }
0x1c: {  	p1 =	slt.u32 s9, $0xF7A;
	s5 =	simm.s32 @!p2 $0x0  }
0x1d: {  	s5 =	simm.s32 @p1 $0x1;
	p0 =	seq.s32 s7, s2  }
0x1e: {  	s7 =	smul.u32 @!p0 $0xF7A, s2;
	p2 =	seq.s32 @!p0 s5, $0x0  }
0x1f: {  	s9 =	smul.u32 $0xF7A, s1;
	s8 =	simm.s32 @!p0 $0x1BF5;
	p2 =	por !p2, p0  }
0x20: {  	[sflag:s8] =	ssyncset.s32 @!p0 $0xFFFFF086;
	s6 =	sadd.s32 @!p0 s3, s7;
	s7 =	simm.s32 @!p0 $0x108  }
0x21: {  	s3 =	sadd.s32 s3, s9;
	s6 =	sadd.s32 @!p0 $0x88, s6;
	s7 =	simm.s32 @p2 $0x1082  }
0x22: {  	[simem:s7], [sflag:s8] =	dma.local @!p0 [hbm:s6], $0xF7A  }
0x23: {  	s9 =	sor.u32 $0xD0000000, s2;
	s6 =	simm.s32 $0x108;
	_ =	swait.ge @!p0 [sflag:s8], $0x0  }
0x24: {  	s3 =	sadd.s32 $0x88, s3;
	s6 =	simm.s32 @!p1 $0x1082;
	[sflag:s4] =	ssyncset.s32 $0xFFFFF086  }
0x25: {  	[simem:s6], [sflag:s4] =	dma.local [hbm:s3], $0xF7A  }
0x26: {  	[smem:$0x3F9D] =	sst s1;
	(tag) =	ssettag s2;
	_ =	strace s9  }
0x27: {  	s1 =	sld [smem:$0x3FAD]  }
0x28: {  	s2 =	sld [smem:$0x3FAE]  }
0x29: {  	s4 =	sld [smem:$0x3FB0]  }
0x2a: {  	p0 =	seq.s32 s5, $0x0;
	s5 =	sld [smem:$0x3FB1]  }
0x2b: {  	s6 =	sld [smem:$0x3FB2]  }
0x2c: {  	s7 =	sld [smem:$0x3FB3]  }
0x2d: {  	s3 =	simm.s32 $0x108;
	s8 =	sld [smem:$0x3FB4]  }
0x2e: {  	s3 =	simm.s32 @!p0 $0x1082;
	s9 =	sld [smem:$0x3FB5]  }
0x2f: {  	lr =	sadd.s32 s0, s3;
	s0 =	sld [smem:$0x3FAC]  }
0x30: {  	s3 =	sld [smem:$0x3FAF]  }
0x31: {  	[smem:$0x3FB8] =	sst s10  }
0x32: {  	s10 =	sld [smem:$0x3FB6];
	_ =	sdelay $0x3  }
0x33: {  	p0 =	seq.s32 s10, $0x1;
	s10 =	sld [smem:$0x3FB8];
	_ =	sdelay $0x3  }
0x34: {  	[smem:$0x3FB8] =	sst s10  }
0x35: {  	s10 =	sld [smem:$0x3FB7];
	_ =	sdelay $0x3  }
0x36: {  	p1 =	seq.s32 s10, $0x1;
	s10 =	sld [smem:$0x3FB8];
	_ =	sdelay $0x3  }
0x37: {  	[smem:$0x3FB8] =	sst s10  }
0x38: {  	s10 =	sld [smem:$0x3FB9]  }
0x39: {  	_ = 	snop;
	(pc) =	sbr.ind lr, $3  }
0x3a: {  	_ = 	snop  }
0x3b: {  	_ = 	snop  }
0x3c: {  	p2 =	seq.s32 s10, $0x1;
	s10 =	sld [smem:$0x3FB8]  }
0x3d: {  	_ =	shalt  }
0x3e: {  	_ =	shalt  }
0x3f: {  	_ =	shalt  }
0x40: {  	_ =	shalt  }
0x41: {  	_ =	shalt  }
0x42: {  	_ =	shalt  }
0x43: {  	_ =	shalt  }
0x44: {  	_ =	shalt  }
0x45: {  	_ =	shalt  }
0x46: {  	_ =	shalt  }
0x47: {  	_ =	shalt  }
0x48: {  	_ =	shalt  }
0x49: {  	_ =	shalt  }
0x4a: {  	_ =	shalt  }
0x4b: {  	_ =	shalt  }
0x4c: {  	_ =	shalt  }
0x4d: {  	_ =	shalt  }
0x4e: {  	_ =	shalt  }
0x4f: {  	_ =	shalt  }
0x50: {  	_ =	shalt  }
0x51: {  	_ =	shalt  }
0x52: {  	_ =	shalt  }
0x53: {  	_ =	shalt  }
0x54: {  	_ =	shalt  }
0x55: {  	_ =	shalt  }
0x56: {  	_ =	shalt  }
0x57: {  	_ =	shalt  }
0x58: {  	_ =	shalt  }
0x59: {  	_ =	shalt  }
0x5a: {  	_ =	shalt  }
0x5b: {  	_ =	shalt  }
0x5c: {  	_ =	shalt  }
0x5d: {  	_ =	shalt  }
0x5e: {  	_ =	shalt  }
0x5f: {  	_ =	shalt  }
0x60: {  	_ =	shalt  }
0x61: {  	_ =	shalt  }
0x62: {  	_ =	shalt  }
0x63: {  	_ =	shalt  }
0x64: {  	_ =	shalt  }
0x65: {  	_ =	shalt  }
0x66: {  	_ =	shalt  }
0x67: {  	_ =	shalt  }
0x68: {  	_ =	shalt  }
0x69: {  	_ =	shalt  }
0x6a: {  	_ =	shalt  }
0x6b: {  	_ =	shalt  }
0x6c: {  	_ =	shalt  }
0x6d: {  	_ =	shalt  }
0x6e: {  	_ =	shalt  }
0x6f: {  	_ =	shalt  }
0x70: {  	_ =	shalt  }
0x71: {  	_ =	shalt  }
0x72: {  	_ =	shalt  }
0x73: {  	_ =	shalt  }
0x74: {  	_ =	shalt  }
0x75: {  	_ =	shalt  }
0x76: {  	_ =	shalt  }
0x77: {  	_ =	shalt  }
0x78: {  	_ =	shalt  }
0x79: {  	_ =	shalt  }
0x7a: {  	_ =	shalt  }
0x7b: {  	_ =	shalt  }
0x7c: {  	_ =	shalt  }
0x7d: {  	_ =	shalt  }
0x7e: {  	_ =	shalt  }
0x7f: {  	_ =	shalt  }
0x80: {  	_ =	shalt  }
0x81: {  	_ =	shalt  }
0x82: {  	_ =	shalt  }
0x83: {  	_ =	shalt  }
0x84: {  	_ =	shalt  }
0x85: {  	_ =	shalt  }
0x86: {  	_ =	shalt  }
0x87: {  	_ =	shalt  }
.Lfunc_end0:
.L_simem_size_0:
called_computation_lowered:
.L_overlay_start_0:
0x88: {  	s2 =	sld [smem:$0x3FD9]  }
0x89: {  	s3 =	sld [smem:$0x3FFE];
	_ =	sdelay $0x1  }
0x8a: {  	s1 =	srdreg.scid  }
0x8b: {  	s0 =	sand.u32 $0x1, s1  }
0x8c: {  	s17 =	sshll.u32 s0, $0xA;
	s2 =	sadd.s32 s3, s2  }
0x8d: {  	s2 =	sadd.s32 s2, s17  }
0x8e: {  	[smem:$0x3FC4] =	sst s2  }
0x8f: {  	_ = 	snop  }
0x90: {  	s2 =	sld [smem:$0x3FD0];
	(tm) =	ssettm $0x1  }
0x91: {  	s18 =	sld [smem:$0x3FFB];
	_ =	sdelay $0x3  }
0x92: {  	_ =	strace s18  }
0x93: {  	s3 =	sld [smem:$0x3FFC];
	_ =	sdelay $0x3  }
0x94: {  	_ =	strace s3  }
0x95: {  	s3 =	sld [smem:$0x3FFD];
	_ =	sdelay $0x3  }
0x96: {  	_ =	strace s3  }
0x97: {  	_ =	strace $0x8FFFFFFF  }
0x98: {  	s19 =	sld [smem:$0x3FDB];
	_ =	sdelay $0x1  }
0x99: {  	s4 =	simm.s32 $_scs_section_size  }
0x9a: {  	s5 =	simm.s32 $_size__tile_overlayer_lowered;
	s6 =	simm.s32 $_tile_overlayer_lowered  }
0x9b: {  	s22 =	simm.s32 $0x1BFF;
	s21 =	sshll.u32 s6, $0x1;
	s3 =	sadd.s32 s4, s19  }
0x9c: {  	s7 =	simm.s32 $0x0;
	s20 =	sshll.u32 s5, $0x1;
	s5 =	sadd.s32 s21, s3  }
0x9d: {  	[timem:s7], [sflag:s22] =	dma.local [hbm:s5], s20  }
0x9e: {  	_ =	swait.ge [sflag:s22], s20  }
0x9f: {  	s4 =	ssub.s32 $0x0, s20;
	[sflag:s22] =	ssyncset.done $0x0  }
0xa0: {  	[sflag:s22] =	ssyncadd.s32 s4;
	_ =	sdelay $0x1  }
0xa1: {  	s23 =	simm.s32 $0x1B8B  }
0xa2: {  	_ =	swait.ge [sflag:s23], $0x1  }
0xa3: {  	[sflag:s23] =	ssyncset.done $0x0  }
0xa4: {  	s25 =	simm.s32 $0x1B8E;
	s24 =	sld [smem:$0x3FFE];
	[sflag:s23] =	ssyncadd.s32 $0xFFFFFFFF  }
0xa5: {  	s26 =	simm.s32 $execute0_lowered;
	[smem:$0x3FD2] =	sst s25  }
0xa6: {  	s5 =	sshll.u32 s26, $0x1;
	_ =	strace $0x80000046;
	[dreg:$0x1] =	wrdreg $0xFFFFFFFF  }
0xa7: {  	s28 =	simm.s32 $_size_execute0_lowered;
	s3 =	sadd.s32 s3, s5;
	[dreg:$0x0] =	wrdreg $0x0  }
0xa8: {  	s5 =	sshll.u32 s28, $0x1;
	[dreg:$0x2] =	wrdreg s3  }
0xa9: {  	[dreg:$0x3] =	wrdreg s5  }
0xaa: {  	[dreg:$0x4] =	wrdreg $0xC0  }
0xab: {  	_ =	task [dreg:s7], $0x5FFFF  }
0xac: {  	[dreg:$0x1] =	wrdreg $0xFFFFFFFF  }
0xad: {  	[dreg:$0x0] =	wrdreg $0x60  }
0xae: {  	[dreg:$0x2] =	wrdreg s24  }
0xaf: {  	[dreg:$0x3] =	wrdreg s2  }
0xb0: {  	[dreg:$0x4] =	wrdreg $0x9  }
0xb1: {  	_ =	task.clear_ibuf [dreg:s7], $0x5FFFF;
	_ =	strace $0x90000046  }
0xb2: {  	s29 =	simm.s32 $0x9;
	_ =	strace $0x80000048  }
0xb3: {  	_ =	swait.ge [sflag:s29], $0x1  }
0xb4: {  	[sflag:s29] =	ssyncadd.s32 $0xFFFFFFFF  }
0xb5: {  	_ =	strace $0x90000048  }
0xb6: {  	_ =	sfence  }
0xb7: {  	s30 =	sld [smem:$0x0];
	_ =	sdelay $0x2  }
0xb8: {  	s31 =	sshll.u32 s1, $0xD;
	s1 =	sshrl.u32 s1, $0x2  }
0xb9: {  	s3 =	sand.u32 $0x4000, s31;
	s1 =	sadd.s32 s1, s30  }
0xba: {  	s0 =	sor.u32 s3, s0;
	s1 =	sshll.u32 s1, $0x11  }
0xbb: {  	s0 =	sor.u32 s1, s0  }
0xbc: {  	s0 =	sadd.s32 $0x8F2B, s0  }
0xbd: {  	[sflag:s0] =	ssyncadd.remote.s32 $0x1  }
0xbe: {  	_ =	sfence.sel $0xFFFF  }
0xbf: {  	[dreg:$0x0] =	wrdreg $0xFFFFFFFF;
	(pc) =	sbr.abs _section_cstart, $3  }
0xc0: {  	[dreg:$0x1] =	wrdreg $0xFFFFFFFF  }
0xc1: {  	_ =	task.clear_ibuf [dreg:s7], $0x2FFFF;
	_ =	strace $0x9FFFFFFF  }
0xc2: {  	(tm) =	ssettm $0x7FFFFFFF  }
0xc3: {  	_ =	shalt  }
tec
execute0_lowered:
.L_overlay_start_1:
0x0: {  	(tag) =	ssettag $0x1  }
0x1: {  	s0 =	srdreg.scid;
	s4 =	rddreg [dreg:$0x0]  }
0x2: {  	s1 =	stileid.u32;
	s5 =	rddreg [dreg:$0x1]  }
0x3: {  	s2 =	simm.s32 $0x0;
	s8 =	simm.s32 $0x2;
	s15 =	simm.s32 $0x1  }
0x4: {  	s17 =	simm.s32 $0x880;
	s18 =	simm.s32 $0x1080;
	s19 =	simm.s32 $0x1880  }
0x5: {  	s20 =	simm.s32 $0x2080;
	s21 =	simm.s32 $0x2880;
	s22 =	simm.s32 $0x3080  }
0x6: {  	s28 =	simm.s32 $0x5880;
	s29 =	simm.s32 $0x6080;
	s30 =	simm.s32 $0x6880  }
0x7: {  	s31 =	simm.s32 $0x7080;
	s10 =	simm.s32 $0x9080;
	s11 =	simm.s32 $0x9880  }
0x8: {  	s12 =	simm.s32 $0xA080;
	s0 =	sand.u32 $0x1, s0;
	s1 =	sshll.u32 s1, $0x1  }
0x9: {  	s13 =	simm.s32 $0xA880;
	s14 =	simm.s32 $0xB080;
	s1 =	sor.u32 s0, s1  }
0xa: {  	s9 =	simm.s32 $0xB880;
	s0 =	ssub.s32 $0x2, s0;
	s1 =	smul.u32 $0xA0, s1  }
0xb: {  	[smem:$0x7FF] =	sst s2;
	s3 =	sadd.s32 $0xA00, s4;
	s24 =	sshrl.u32 s0, $0x1  }
0xc: {  	_ =	strace $0x80000047;
	s0 =	ssub.s32 s0, s24;
	s1 =	sshrl.u32 s1, $0x3  }
0xd: {  	s24 =	simm.s32 $0x4080;
	s6 =	smul.u32 $0x300, s1;
	s7 =	sadd.s32 s5, s1  }
0xe: {  	s5 =	sadd.s32 $0xB00, s4;
	[dreg:$0x6] =	wrdreg s7;
	s25 =	sadd.s32 $0xA, s7  }
0xf: {  	s7 =	smax.u32 s0, $0x1;
	s0 =	simm.s32 $0x80;
	s6 =	sadd.s32 s6, s4  }
0x10: {  	v2 =	vlaneseq.u32;
	[dreg:$0x4] =	wrdreg s25;
	s25 =	simm.s32 $0x4880;
	s23 =	sadd.s32 $0x60E00, s6  }
0x11: {  	vm0 =	vmmov $0xffff;
	v1 =	vshrl.u32 v2, $0x3;
	s26 =	sadd.s32 $0x62C00, s6;
	s6 =	sadd.s32 $0xC00, s4;
	[dreg:$0x3] =	wrdreg s23  }
0x12: {  	v0 =	vand.u32 $0x7, v2;
	v2 =	vor.u32 $0x8, v2;
	v1 =	vmul.u32 $0x8, v1;
	[dreg:$0x5] =	wrdreg s26;
	s23 =	simm.s32 $0x3880;
	s26 =	simm.s32 $0x5080  }
.LBB2_1:
0x13: {  	s16 =	rddreg [dreg:$0x6]  }
0x14: {  	[tilespmem:s2], [sflag:$0x2] =	stream.linear.gather [hbm4b:s16+s2], $0x50, $0x38;
	[tilespmem:$0xF080] =	vst v63  }
0x15: {  	_ =	swait.ge [sflag:s8], $0x50  }
0x16: {  	[sflag:s8] =	ssyncset.done $0x0  }
0x17: {  	[sflag:s8] =	ssyncadd.s32 $0xFFFFFFB0  }
0x18: {  	v3 =	vld [tilespmem:$0x0];
	_ =	sdelay $0x4  }
0x19: {  	v4 =	vshrl.u32 v3, $0x3  }
0x1a: {  	v4 =	vmul.u32 $0x30, v4  }
0x1b: {  	v3 =	vand.u32 $0x7, v3  }
0x1c: {  	v3 =	vor.u32 v3, v4  }
0x1d: {  	v4 =	vperm.xlane v3, v0;
	_ =	sdelay $0x1  }
0x1e: {  	v4 =	vadd.s32 v1, v4;
	_ =	sdelay $0x3  }
0x1f: {  	v3 =	vperm.xlane v3, v2  }
0x20: {  	[tilespmem:s0], [sflag:$0x1] =	stream.indirect_vreg.gather [hbm4b:s3+s2], $0x80, v4, vm0, $0xb8;
	[tilespmem:$0xF080] =	vst v63  }
0x21: {  	v3 =	vadd.s32 v1, v3  }
0x22: {  	[tilespmem:s17], [sflag:$0x1] =	stream.indirect_vreg.gather [hbm4b:s5+s2], $0x80, v4, vm0, $0xb8;
	[tilespmem:$0xF080] =	vst v63  }
0x23: {  	_ = 	snop  }
0x24: {  	[tilespmem:s18], [sflag:$0x1] =	stream.indirect_vreg.gather [hbm4b:s6+s2], $0x80, v4, vm0, $0xb8;
	[tilespmem:$0xF080] =	vst v63  }
0x25: {  	_ = 	snop  }
0x26: {  	[tilespmem:s19], [sflag:$0x1] =	stream.indirect_vreg.gather [hbm4b:s3+s2], $0x80, v3, vm0, $0xb8;
	[tilespmem:$0xF080] =	vst v63  }
0x27: {  	_ = 	snop  }
0x28: {  	[tilespmem:s20], [sflag:$0x1] =	stream.indirect_vreg.gather [hbm4b:s5+s2], $0x80, v3, vm0, $0xb8;
	[tilespmem:$0xF080] =	vst v63  }
0x29: {  	_ = 	snop  }
0x2a: {  	[tilespmem:s21], [sflag:$0x1] =	stream.indirect_vreg.gather [hbm4b:s6+s2], $0x80, v3, vm0, $0xb8;
	[tilespmem:$0xF080] =	vst v63  }
0x2b: {  	v3 =	vld [tilespmem:$0x10];
	_ =	sdelay $0x4  }
0x2c: {  	v55 =	vshrl.u32 v3, $0x3  }
0x2d: {  	v4 =	vmul.u32 $0x30, v55  }
0x2e: {  	v3 =	vand.u32 $0x7, v3  }
0x2f: {  	v3 =	vor.u32 v3, v4  }
0x30: {  	v4 =	vperm.xlane v3, v0;
	_ =	sdelay $0x1  }
0x31: {  	v4 =	vadd.s32 v1, v4;
	_ =	sdelay $0x3  }
0x32: {  	v3 =	vperm.xlane v3, v2  }
0x33: {  	[tilespmem:s22], [sflag:$0x1] =	stream.indirect_vreg.gather [hbm4b:s3+s2], $0x80, v4, vm0, $0xb8;
	[tilespmem:$0xF080] =	vst v63  }
0x34: {  	v3 =	vadd.s32 v1, v3  }
0x35: {  	[tilespmem:s23], [sflag:$0x1] =	stream.indirect_vreg.gather [hbm4b:s5+s2], $0x80, v4, vm0, $0xb8;
	[tilespmem:$0xF080] =	vst v63  }
0x36: {  	_ = 	snop  }
0x37: {  	[tilespmem:s24], [sflag:$0x1] =	stream.indirect_vreg.gather [hbm4b:s6+s2], $0x80, v4, vm0, $0xb8;
	[tilespmem:$0xF080] =	vst v63  }
0x38: {  	_ = 	snop  }
0x39: {  	[tilespmem:s25], [sflag:$0x1] =	stream.indirect_vreg.gather [hbm4b:s3+s2], $0x80, v3, vm0, $0xb8;
	[tilespmem:$0xF080] =	vst v63  }
0x3a: {  	_ = 	snop  }
0x3b: {  	[tilespmem:s26], [sflag:$0x1] =	stream.indirect_vreg.gather [hbm4b:s5+s2], $0x80, v3, vm0, $0xb8;
	[tilespmem:$0xF080] =	vst v63  }
0x3c: {  	_ = 	snop  }
0x3d: {  	[tilespmem:s28], [sflag:$0x1] =	stream.indirect_vreg.gather [hbm4b:s6+s2], $0x80, v3, vm0, $0xb8;
	[tilespmem:$0xF080] =	vst v63  }
0x3e: {  	v3 =	vld [tilespmem:$0x20];
	_ =	sdelay $0x4  }
0x3f: {  	v56 =	vshrl.u32 v3, $0x3  }
0x40: {  	v4 =	vmul.u32 $0x30, v56  }
0x41: {  	v3 =	vand.u32 $0x7, v3  }
0x42: {  	v3 =	vor.u32 v3, v4  }
0x43: {  	v4 =	vperm.xlane v3, v0;
	_ =	sdelay $0x1  }
0x44: {  	v4 =	vadd.s32 v1, v4;
	_ =	sdelay $0x3  }
0x45: {  	v3 =	vperm.xlane v3, v2  }
0x46: {  	[tilespmem:s29], [sflag:$0x1] =	stream.indirect_vreg.gather [hbm4b:s3+s2], $0x80, v4, vm0, $0xb8;
	[tilespmem:$0xF080] =	vst v63  }
0x47: {  	v3 =	vadd.s32 v1, v3  }
0x48: {  	[tilespmem:s30], [sflag:$0x1] =	stream.indirect_vreg.gather [hbm4b:s5+s2], $0x80, v4, vm0, $0xb8;
	[tilespmem:$0xF080] =	vst v63  }
0x49: {  	_ = 	snop  }
0x4a: {  	[tilespmem:s31], [sflag:$0x1] =	stream.indirect_vreg.gather [hbm4b:s6+s2], $0x80, v4, vm0, $0xb8;
	[tilespmem:$0xF080] =	vst v63  }
0x4b: {  	s1 =	simm.s32 $0x7880  }
0x4c: {  	[tilespmem:s1], [sflag:$0x1] =	stream.indirect_vreg.gather [hbm4b:s3+s2], $0x80, v3, vm0, $0xb8;
	[tilespmem:$0xF080] =	vst v63  }
0x4d: {  	s4 =	simm.s32 $0x8080  }
0x4e: {  	[tilespmem:s4], [sflag:$0x1] =	stream.indirect_vreg.gather [hbm4b:s5+s2], $0x80, v3, vm0, $0xb8;
	[tilespmem:$0xF080] =	vst v63  }
0x4f: {  	s4 =	simm.s32 $0x8880  }
0x50: {  	[tilespmem:s4], [sflag:$0x1] =	stream.indirect_vreg.gather [hbm4b:s6+s2], $0x80, v3, vm0, $0xb8;
	[tilespmem:$0xF080] =	vst v63  }
0x51: {  	v3 =	vld [tilespmem:$0x30];
	_ =	sdelay $0x4  }
0x52: {  	v57 =	vshrl.u32 v3, $0x3  }
0x53: {  	v4 =	vmul.u32 $0x30, v57  }
0x54: {  	v3 =	vand.u32 $0x7, v3  }
0x55: {  	v3 =	vor.u32 v3, v4  }
0x56: {  	v4 =	vperm.xlane v3, v0;
	_ =	sdelay $0x1  }
0x57: {  	v4 =	vadd.s32 v1, v4;
	_ =	sdelay $0x3  }
0x58: {  	v3 =	vperm.xlane v3, v2  }
0x59: {  	[tilespmem:s10], [sflag:$0x1] =	stream.indirect_vreg.gather [hbm4b:s3+s2], $0x80, v4, vm0, $0xb8;
	[tilespmem:$0xF080] =	vst v63  }
0x5a: {  	v3 =	vadd.s32 v1, v3  }
0x5b: {  	[tilespmem:s11], [sflag:$0x1] =	stream.indirect_vreg.gather [hbm4b:s5+s2], $0x80, v4, vm0, $0xb8;
	[tilespmem:$0xF080] =	vst v63  }
0x5c: {  	_ = 	snop  }
0x5d: {  	[tilespmem:s12], [sflag:$0x1] =	stream.indirect_vreg.gather [hbm4b:s6+s2], $0x80, v4, vm0, $0xb8;
	[tilespmem:$0xF080] =	vst v63  }
0x5e: {  	_ = 	snop  }
0x5f: {  	[tilespmem:s13], [sflag:$0x1] =	stream.indirect_vreg.gather [hbm4b:s3+s2], $0x80, v3, vm0, $0xb8;
	[tilespmem:$0xF080] =	vst v63  }
0x60: {  	_ = 	snop  }
0x61: {  	[tilespmem:s14], [sflag:$0x1] =	stream.indirect_vreg.gather [hbm4b:s5+s2], $0x80, v3, vm0, $0xb8;
	[tilespmem:$0xF080] =	vst v63  }
0x62: {  	_ = 	snop  }
0x63: {  	[tilespmem:s9], [sflag:$0x1] =	stream.indirect_vreg.gather [hbm4b:s6+s2], $0x80, v3, vm0, $0xb8;
	[tilespmem:$0xF080] =	vst v63  }
0x64: {  	v3 =	vld [tilespmem:$0x40];
	_ =	sdelay $0x4  }
0x65: {  	v58 =	vshrl.u32 v3, $0x3  }
0x66: {  	v4 =	vmul.u32 $0x30, v58  }
0x67: {  	v3 =	vand.u32 $0x7, v3  }
0x68: {  	v3 =	vor.u32 v3, v4  }
0x69: {  	v4 =	vperm.xlane v3, v0;
	_ =	sdelay $0x1  }
0x6a: {  	v4 =	vadd.s32 v1, v4;
	_ =	sdelay $0x3  }
0x6b: {  	s16 =	simm.s32 $0xC080;
	v3 =	vperm.xlane v3, v2  }
0x6c: {  	[tilespmem:s16], [sflag:$0x1] =	stream.indirect_vreg.gather [hbm4b:s3+s2], $0x80, v4, vm0, $0xb8;
	[tilespmem:$0xF080] =	vst v63  }
0x6d: {  	v3 =	vadd.s32 v1, v3;
	s16 =	simm.s32 $0xC880  }
0x6e: {  	[tilespmem:s16], [sflag:$0x1] =	stream.indirect_vreg.gather [hbm4b:s5+s2], $0x80, v4, vm0, $0xb8;
	[tilespmem:$0xF080] =	vst v63  }
0x6f: {  	s16 =	simm.s32 $0xD080  }
0x70: {  	[tilespmem:s16], [sflag:$0x1] =	stream.indirect_vreg.gather [hbm4b:s6+s2], $0x80, v4, vm0, $0xb8;
	[tilespmem:$0xF080] =	vst v63  }
0x71: {  	s16 =	simm.s32 $0xD880  }
0x72: {  	[tilespmem:s16], [sflag:$0x1] =	stream.indirect_vreg.gather [hbm4b:s3+s2], $0x80, v3, vm0, $0xb8;
	[tilespmem:$0xF080] =	vst v63  }
0x73: {  	s16 =	simm.s32 $0xE080  }
0x74: {  	[tilespmem:s16], [sflag:$0x1] =	stream.indirect_vreg.gather [hbm4b:s5+s2], $0x80, v3, vm0, $0xb8;
	[tilespmem:$0xF080] =	vst v63  }
0x75: {  	s16 =	simm.s32 $0xE880  }
0x76: {  	[tilespmem:s16], [sflag:$0x1] =	stream.indirect_vreg.gather [hbm4b:s6+s2], $0x80, v3, vm0, $0xb8;
	[tilespmem:$0xF080] =	vst v63  }
0x77: {  	_ =	swait.ge [sflag:s15], $0xF000  }
0x78: {  	[sflag:s15] =	ssyncset.done $0x0  }
0x79: {  	s16 =	rddreg [dreg:$0x3];
	[sflag:s15] =	ssyncadd.s32 $0xFFFF1000  }
0x7a: {  	[hbm4b:s16+s2] =	stream.linear.scatter [tilespmem:s0], [sflag:$0x2], $0xF000, $0x38;
	[tilespmem:$0xF080] =	vst v63  }
0x7b: {  	_ =	swait.ge [sflag:s8], $0xF000  }
0x7c: {  	[sflag:s8] =	ssyncset.done $0x0  }
0x7d: {  	s16 =	rddreg [dreg:$0x4];
	[sflag:s8] =	ssyncadd.s32 $0xFFFF1000  }
0x7e: {  	[tilespmem:s2], [sflag:$0x2] =	stream.linear.gather [hbm4b:s16+s2], $0x50, $0x38;
	[tilespmem:$0xF080] =	vst v63  }
0x7f: {  	_ =	swait.ge [sflag:s8], $0x50  }
0x80: {  	[sflag:s8] =	ssyncset.done $0x0  }
0x81: {  	[sflag:s8] =	ssyncadd.s32 $0xFFFFFFB0  }
0x82: {  	v3 =	vld [tilespmem:$0x0];
	_ =	sdelay $0x4  }
0x83: {  	v59 =	vshrl.u32 v3, $0x3  }
0x84: {  	v4 =	vmul.u32 $0x30, v59  }
0x85: {  	v3 =	vand.u32 $0x7, v3  }
0x86: {  	v3 =	vor.u32 v3, v4  }
0x87: {  	v4 =	vperm.xlane v3, v0;
	_ =	sdelay $0x1  }
0x88: {  	v4 =	vadd.s32 v1, v4;
	_ =	sdelay $0x3  }
0x89: {  	v3 =	vperm.xlane v3, v2  }
0x8a: {  	[tilespmem:s0], [sflag:$0x1] =	stream.indirect_vreg.gather [hbm4b:s3+s2], $0x80, v4, vm0, $0xb8;
	[tilespmem:$0xF080] =	vst v63  }
0x8b: {  	v3 =	vadd.s32 v1, v3  }
0x8c: {  	[tilespmem:s17], [sflag:$0x1] =	stream.indirect_vreg.gather [hbm4b:s5+s2], $0x80, v4, vm0, $0xb8;
	[tilespmem:$0xF080] =	vst v63  }
0x8d: {  	_ = 	snop  }
0x8e: {  	[tilespmem:s18], [sflag:$0x1] =	stream.indirect_vreg.gather [hbm4b:s6+s2], $0x80, v4, vm0, $0xb8;
	[tilespmem:$0xF080] =	vst v63  }
0x8f: {  	_ = 	snop  }
0x90: {  	[tilespmem:s19], [sflag:$0x1] =	stream.indirect_vreg.gather [hbm4b:s3+s2], $0x80, v3, vm0, $0xb8;
	[tilespmem:$0xF080] =	vst v63  }
0x91: {  	_ = 	snop  }
0x92: {  	[tilespmem:s20], [sflag:$0x1] =	stream.indirect_vreg.gather [hbm4b:s5+s2], $0x80, v3, vm0, $0xb8;
	[tilespmem:$0xF080] =	vst v63  }
0x93: {  	_ = 	snop  }
0x94: {  	[tilespmem:s21], [sflag:$0x1] =	stream.indirect_vreg.gather [hbm4b:s6+s2], $0x80, v3, vm0, $0xb8;
	[tilespmem:$0xF080] =	vst v63  }
0x95: {  	v3 =	vld [tilespmem:$0x10];
	_ =	sdelay $0x4  }
0x96: {  	v60 =	vshrl.u32 v3, $0x3  }
0x97: {  	v4 =	vmul.u32 $0x30, v60  }
0x98: {  	v3 =	vand.u32 $0x7, v3  }
0x99: {  	v3 =	vor.u32 v3, v4  }
0x9a: {  	v4 =	vperm.xlane v3, v0;
	_ =	sdelay $0x1  }
0x9b: {  	v4 =	vadd.s32 v1, v4;
	_ =	sdelay $0x3  }
0x9c: {  	v3 =	vperm.xlane v3, v2  }
0x9d: {  	[tilespmem:s22], [sflag:$0x1] =	stream.indirect_vreg.gather [hbm4b:s3+s2], $0x80, v4, vm0, $0xb8;
	[tilespmem:$0xF080] =	vst v63  }
0x9e: {  	v3 =	vadd.s32 v1, v3  }
0x9f: {  	[tilespmem:s23], [sflag:$0x1] =	stream.indirect_vreg.gather [hbm4b:s5+s2], $0x80, v4, vm0, $0xb8;
	[tilespmem:$0xF080] =	vst v63  }
0xa0: {  	_ = 	snop  }
0xa1: {  	[tilespmem:s24], [sflag:$0x1] =	stream.indirect_vreg.gather [hbm4b:s6+s2], $0x80, v4, vm0, $0xb8;
	[tilespmem:$0xF080] =	vst v63  }
0xa2: {  	_ = 	snop  }
0xa3: {  	[tilespmem:s25], [sflag:$0x1] =	stream.indirect_vreg.gather [hbm4b:s3+s2], $0x80, v3, vm0, $0xb8;
	[tilespmem:$0xF080] =	vst v63  }
0xa4: {  	_ = 	snop  }
0xa5: {  	[tilespmem:s26], [sflag:$0x1] =	stream.indirect_vreg.gather [hbm4b:s5+s2], $0x80, v3, vm0, $0xb8;
	[tilespmem:$0xF080] =	vst v63  }
0xa6: {  	_ = 	snop  }
0xa7: {  	[tilespmem:s28], [sflag:$0x1] =	stream.indirect_vreg.gather [hbm4b:s6+s2], $0x80, v3, vm0, $0xb8;
	[tilespmem:$0xF080] =	vst v63  }
0xa8: {  	v3 =	vld [tilespmem:$0x20];
	_ =	sdelay $0x4  }
0xa9: {  	v61 =	vshrl.u32 v3, $0x3  }
0xaa: {  	v4 =	vmul.u32 $0x30, v61  }
0xab: {  	v3 =	vand.u32 $0x7, v3  }
0xac: {  	v3 =	vor.u32 v3, v4  }
0xad: {  	v4 =	vperm.xlane v3, v0;
	_ =	sdelay $0x1  }
0xae: {  	v4 =	vadd.s32 v1, v4;
	_ =	sdelay $0x3  }
0xaf: {  	v3 =	vperm.xlane v3, v2  }
0xb0: {  	[tilespmem:s29], [sflag:$0x1] =	stream.indirect_vreg.gather [hbm4b:s3+s2], $0x80, v4, vm0, $0xb8;
	[tilespmem:$0xF080] =	vst v63  }
0xb1: {  	v3 =	vadd.s32 v1, v3  }
0xb2: {  	[tilespmem:s30], [sflag:$0x1] =	stream.indirect_vreg.gather [hbm4b:s5+s2], $0x80, v4, vm0, $0xb8;
	[tilespmem:$0xF080] =	vst v63  }
0xb3: {  	_ = 	snop  }
0xb4: {  	[tilespmem:s31], [sflag:$0x1] =	stream.indirect_vreg.gather [hbm4b:s6+s2], $0x80, v4, vm0, $0xb8;
	[tilespmem:$0xF080] =	vst v63  }
0xb5: {  	_ = 	snop  }
0xb6: {  	[tilespmem:s1], [sflag:$0x1] =	stream.indirect_vreg.gather [hbm4b:s3+s2], $0x80, v3, vm0, $0xb8;
	[tilespmem:$0xF080] =	vst v63  }
0xb7: {  	s16 =	simm.s32 $0x8080  }
0xb8: {  	[tilespmem:s16], [sflag:$0x1] =	stream.indirect_vreg.gather [hbm4b:s5+s2], $0x80, v3, vm0, $0xb8;
	[tilespmem:$0xF080] =	vst v63  }
0xb9: {  	_ = 	snop  }
0xba: {  	[tilespmem:s4], [sflag:$0x1] =	stream.indirect_vreg.gather [hbm4b:s6+s2], $0x80, v3, vm0, $0xb8;
	[tilespmem:$0xF080] =	vst v63  }
0xbb: {  	v3 =	vld [tilespmem:$0x30];
	_ =	sdelay $0x4  }
0xbc: {  	v62 =	vshrl.u32 v3, $0x3  }
0xbd: {  	v4 =	vmul.u32 $0x30, v62  }
0xbe: {  	v3 =	vand.u32 $0x7, v3  }
0xbf: {  	v3 =	vor.u32 v3, v4  }
0xc0: {  	v4 =	vperm.xlane v3, v0;
	_ =	sdelay $0x1  }
0xc1: {  	v4 =	vadd.s32 v1, v4;
	_ =	sdelay $0x3  }
0xc2: {  	v3 =	vperm.xlane v3, v2  }
0xc3: {  	[tilespmem:s10], [sflag:$0x1] =	stream.indirect_vreg.gather [hbm4b:s3+s2], $0x80, v4, vm0, $0xb8;
	[tilespmem:$0xF080] =	vst v63  }
0xc4: {  	v3 =	vadd.s32 v1, v3  }
0xc5: {  	[tilespmem:s11], [sflag:$0x1] =	stream.indirect_vreg.gather [hbm4b:s5+s2], $0x80, v4, vm0, $0xb8;
	[tilespmem:$0xF080] =	vst v63  }
0xc6: {  	_ = 	snop  }
0xc7: {  	[tilespmem:s12], [sflag:$0x1] =	stream.indirect_vreg.gather [hbm4b:s6+s2], $0x80, v4, vm0, $0xb8;
	[tilespmem:$0xF080] =	vst v63  }
0xc8: {  	_ = 	snop  }
0xc9: {  	[tilespmem:s13], [sflag:$0x1] =	stream.indirect_vreg.gather [hbm4b:s3+s2], $0x80, v3, vm0, $0xb8;
	[tilespmem:$0xF080] =	vst v63  }
0xca: {  	_ = 	snop  }
0xcb: {  	[tilespmem:s14], [sflag:$0x1] =	stream.indirect_vreg.gather [hbm4b:s5+s2], $0x80, v3, vm0, $0xb8;
	[tilespmem:$0xF080] =	vst v63  }
0xcc: {  	_ = 	snop  }
0xcd: {  	[tilespmem:s9], [sflag:$0x1] =	stream.indirect_vreg.gather [hbm4b:s6+s2], $0x80, v3, vm0, $0xb8;
	[tilespmem:$0xF080] =	vst v63  }
0xce: {  	v3 =	vld [tilespmem:$0x40];
	_ =	sdelay $0x4  }
0xcf: {  	v63 =	vshrl.u32 v3, $0x3  }
0xd0: {  	v4 =	vmul.u32 $0x30, v63  }
0xd1: {  	v3 =	vand.u32 $0x7, v3  }
0xd2: {  	v3 =	vor.u32 v3, v4  }
0xd3: {  	v4 =	vperm.xlane v3, v0;
	_ =	sdelay $0x1  }
0xd4: {  	v4 =	vadd.s32 v1, v4;
	_ =	sdelay $0x3  }
0xd5: {  	s4 =	simm.s32 $0xC080;
	v3 =	vperm.xlane v3, v2  }
0xd6: {  	[tilespmem:s4], [sflag:$0x1] =	stream.indirect_vreg.gather [hbm4b:s3+s2], $0x80, v4, vm0, $0xb8;
	[tilespmem:$0xF080] =	vst v63  }
0xd7: {  	s16 =	simm.s32 $0xC880;
	v3 =	vadd.s32 v1, v3  }
0xd8: {  	[tilespmem:s16], [sflag:$0x1] =	stream.indirect_vreg.gather [hbm4b:s5+s2], $0x80, v4, vm0, $0xb8;
	[tilespmem:$0xF080] =	vst v63  }
0xd9: {  	s4 =	simm.s32 $0xD080  }
0xda: {  	[tilespmem:s4], [sflag:$0x1] =	stream.indirect_vreg.gather [hbm4b:s6+s2], $0x80, v4, vm0, $0xb8;
	[tilespmem:$0xF080] =	vst v63  }
0xdb: {  	s16 =	simm.s32 $0xD880  }
0xdc: {  	[tilespmem:s16], [sflag:$0x1] =	stream.indirect_vreg.gather [hbm4b:s3+s2], $0x80, v3, vm0, $0xb8;
	[tilespmem:$0xF080] =	vst v63  }
0xdd: {  	s4 =	simm.s32 $0xE080  }
0xde: {  	[tilespmem:s4], [sflag:$0x1] =	stream.indirect_vreg.gather [hbm4b:s5+s2], $0x80, v3, vm0, $0xb8;
	[tilespmem:$0xF080] =	vst v63  }
0xdf: {  	s16 =	simm.s32 $0xE880  }
0xe0: {  	[tilespmem:s16], [sflag:$0x1] =	stream.indirect_vreg.gather [hbm4b:s6+s2], $0x80, v3, vm0, $0xb8;
	[tilespmem:$0xF080] =	vst v63  }
0xe1: {  	_ =	swait.ge [sflag:s15], $0xF000  }
0xe2: {  	p0 =	sne.s32 s7, $0x1;
	[sflag:s15] =	ssyncset.done $0x0  }
.Ltmp0:
0xe3: {  	s4 =	rddreg [dreg:$0x5];
	[sflag:s15] =	ssyncadd.s32 $0xFFFF1000;
	(pc) =	sbr.rel @p0 .LBB2_1-.Ltmp0, $4  }
0xe4: {  	[hbm4b:s4+s2] =	stream.linear.scatter [tilespmem:s0], [sflag:$0x2], $0xF000, $0x38;
	[tilespmem:$0xF080] =	vst v63  }
0xe5: {  	_ =	swait.ge [sflag:s8], $0xF000  }
0xe6: {  	[sflag:s8] =	ssyncset.done $0x0  }
0xe7: {  	s7 =	sadd.s32 $0xFFFFFFFF, s7;
	[sflag:s8] =	ssyncadd.s32 $0xFFFF1000  }
0xe8: {  	_ =	sfence.sel $0x180000  }
0xe9: {  	[bflag:$0x0] =	sbarrier.arrive $0xFFFF  }
0xea: {  	_ =	strace $0x90000047  }
0xeb: {  	s0 =	stileid.u32;
	[bflag:$0x2] =	sbarrier.arrive $0xFFFF  }
0xec: {  	p0 =	sne.s32 s0, $0x0;
	s0 =	rddreg [dreg:$0x2]  }
0xed: {  	s0 =	sadd.s32 @!p0 $0x100000, s0  }
0xee: {  	[sflag:s0] =	ssyncadd.tile.s32 @!p0 $0x1;
	_ =	shalt  }
.Lfunc_end2:
_tile_overlayer_lowered:
.L_overlay_start_2:
0xef: {  	(tag) =	ssettag $0x2  }
0xf0: {  	s0 =	rddreg [dreg:$0x0];
	s2 =	stileid.u32  }
0xf1: {  	s1 =	rddreg [dreg:$0x1];
	p0 =	sne.s32 s2, $0x0  }
0xf2: {  	s3 =	rddreg [dreg:$0x2];
	[bflag:$0x3] =	sbarrier.arrive $0xFFFF;
	s2 =	simm.s32 @!p0 $0x1C02  }
0xf3: {  	[timem:s3], [sflag:s2] =	dma.local @!p0 [hbm:s0], s1  }
0xf4: {  	s0 =	simm.s32 @!p0 $0x2  }
0xf5: {  	_ =	swait.ge @!p0 [sflag:s0], s1  }
0xf6: {  	s1 =	ssub.s32 @!p0 $0x0, s1;
	[sflag:s0] =	ssyncset.done @!p0 $0x0  }
0xf7: {  	[sflag:s0] =	ssyncadd.s32 @!p0 s1  }
0xf8: {  	[bflag:$0x3] =	sbarrier.arrive $0xFFFF  }
0xf9: {  	_ =	shalt  }

// kernel: kernel.9.cloned.1.call-start
scs
__scs_entry_jumppad:
0x0: {  	(pc) =	sbr.rel $0x88, $3  }
0x1: {  	(tag) =	ssettag $0x0;
	lr =	simm.s32 $0x1  }
0x2: {  	[smem:$0x3F9D] =	sst lr;
	_ =	strace $0xD0000000  }
0x3: {  	_ = 	snop  }
0x4: {  	_ = 	snop  }
0x5: {  	_ = 	snop  }
0x6: {  	_ = 	snop  }
0x7: {  	_ = 	snop  }
__scs_overlays_trampoline_lowered:
0x8: {  	[smem:$0x3FAC] =	sst s0  }
0x9: {  	[smem:$0x3FAD] =	sst s1  }
0xa: {  	[smem:$0x3FAE] =	sst s2  }
0xb: {  	[smem:$0x3FAF] =	sst s3  }
0xc: {  	[smem:$0x3FB0] =	sst s4  }
0xd: {  	[smem:$0x3FB1] =	sst s5  }
0xe: {  	[smem:$0x3FB2] =	sst s6  }
0xf: {  	[smem:$0x3FB3] =	sst s7  }
0x10: {  	[smem:$0x3FB4] =	sst s8  }
0x11: {  	[smem:$0x3FB5] =	sst s9;
	s0 =	simm.s32 @!p0 $0x0  }
0x12: {  	s1 =	sld [smem:$0x3F9B];
	s0 =	simm.s32 @p0 $0x1  }
0x13: {  	[smem:$0x3FB6] =	sst s0;
	s0 =	simm.s32 @!p1 $0x0  }
0x14: {  	s2 =	sld [smem:$0x3F9A];
	s0 =	simm.s32 @p1 $0x1  }
0x15: {  	[smem:$0x3FB7] =	sst s0;
	s0 =	simm.s32 @!p2 $0x0  }
0x16: {  	s3 =	sld [smem:$0x3FDB];
	s0 =	simm.s32 @p2 $0x1  }
0x17: {  	s4 =	simm.s32 $0x1BF5;
	[smem:$0x3FB9] =	sst s0  }
0x18: {  	s0 =	sld [smem:$0x3F9C];
	_ =	swait.ge [sflag:s4], $0x0  }
0x19: {  	s7 =	sld [smem:$0x3F9D]  }
0x1a: {  	s8 =	sadd.s32 $0xFFFFE003, lr  }
0x1b: {  	s9 =	sadd.s32 $0xFFFFFEF7, lr;
	s5 =	simm.s32 $0xFFFFFFFF;
	p2 =	slt.u32 s8, $0xFFFFF086  }
0x1c: {  	p1 =	slt.u32 s9, $0xF7A;
	s5 =	simm.s32 @!p2 $0x0  }
0x1d: {  	s5 =	simm.s32 @p1 $0x1;
	p0 =	seq.s32 s7, s2  }
0x1e: {  	s7 =	smul.u32 @!p0 $0xF7A, s2;
	p2 =	seq.s32 @!p0 s5, $0x0  }
0x1f: {  	s9 =	smul.u32 $0xF7A, s1;
	s8 =	simm.s32 @!p0 $0x1BF5;
	p2 =	por !p2, p0  }
0x20: {  	[sflag:s8] =	ssyncset.s32 @!p0 $0xFFFFF086;
	s6 =	sadd.s32 @!p0 s3, s7;
	s7 =	simm.s32 @!p0 $0x108  }
0x21: {  	s3 =	sadd.s32 s3, s9;
	s6 =	sadd.s32 @!p0 $0x88, s6;
	s7 =	simm.s32 @p2 $0x1082  }
0x22: {  	[simem:s7], [sflag:s8] =	dma.local @!p0 [hbm:s6], $0xF7A  }
0x23: {  	s9 =	sor.u32 $0xD0000000, s2;
	s6 =	simm.s32 $0x108;
	_ =	swait.ge @!p0 [sflag:s8], $0x0  }
0x24: {  	s3 =	sadd.s32 $0x88, s3;
	s6 =	simm.s32 @!p1 $0x1082;
	[sflag:s4] =	ssyncset.s32 $0xFFFFF086  }
0x25: {  	[simem:s6], [sflag:s4] =	dma.local [hbm:s3], $0xF7A  }
0x26: {  	[smem:$0x3F9D] =	sst s1;
	(tag) =	ssettag s2;
	_ =	strace s9  }
0x27: {  	s1 =	sld [smem:$0x3FAD]  }
0x28: {  	s2 =	sld [smem:$0x3FAE]  }
0x29: {  	s4 =	sld [smem:$0x3FB0]  }
0x2a: {  	p0 =	seq.s32 s5, $0x0;
	s5 =	sld [smem:$0x3FB1]  }
0x2b: {  	s6 =	sld [smem:$0x3FB2]  }
0x2c: {  	s7 =	sld [smem:$0x3FB3]  }
0x2d: {  	s3 =	simm.s32 $0x108;
	s8 =	sld [smem:$0x3FB4]  }
0x2e: {  	s3 =	simm.s32 @!p0 $0x1082;
	s9 =	sld [smem:$0x3FB5]  }
0x2f: {  	lr =	sadd.s32 s0, s3;
	s0 =	sld [smem:$0x3FAC]  }
0x30: {  	s3 =	sld [smem:$0x3FAF]  }
0x31: {  	[smem:$0x3FB8] =	sst s10  }
0x32: {  	s10 =	sld [smem:$0x3FB6];
	_ =	sdelay $0x3  }
0x33: {  	p0 =	seq.s32 s10, $0x1;
	s10 =	sld [smem:$0x3FB8];
	_ =	sdelay $0x3  }
0x34: {  	[smem:$0x3FB8] =	sst s10  }
0x35: {  	s10 =	sld [smem:$0x3FB7];
	_ =	sdelay $0x3  }
0x36: {  	p1 =	seq.s32 s10, $0x1;
	s10 =	sld [smem:$0x3FB8];
	_ =	sdelay $0x3  }
0x37: {  	[smem:$0x3FB8] =	sst s10  }
0x38: {  	s10 =	sld [smem:$0x3FB9]  }
0x39: {  	_ = 	snop;
	(pc) =	sbr.ind lr, $3  }
0x3a: {  	_ = 	snop  }
0x3b: {  	_ = 	snop  }
0x3c: {  	p2 =	seq.s32 s10, $0x1;
	s10 =	sld [smem:$0x3FB8]  }
0x3d: {  	_ =	shalt  }
0x3e: {  	_ =	shalt  }
0x3f: {  	_ =	shalt  }
0x40: {  	_ =	shalt  }
0x41: {  	_ =	shalt  }
0x42: {  	_ =	shalt  }
0x43: {  	_ =	shalt  }
0x44: {  	_ =	shalt  }
0x45: {  	_ =	shalt  }
0x46: {  	_ =	shalt  }
0x47: {  	_ =	shalt  }
0x48: {  	_ =	shalt  }
0x49: {  	_ =	shalt  }
0x4a: {  	_ =	shalt  }
0x4b: {  	_ =	shalt  }
0x4c: {  	_ =	shalt  }
0x4d: {  	_ =	shalt  }
0x4e: {  	_ =	shalt  }
0x4f: {  	_ =	shalt  }
0x50: {  	_ =	shalt  }
0x51: {  	_ =	shalt  }
0x52: {  	_ =	shalt  }
0x53: {  	_ =	shalt  }
0x54: {  	_ =	shalt  }
0x55: {  	_ =	shalt  }
0x56: {  	_ =	shalt  }
0x57: {  	_ =	shalt  }
0x58: {  	_ =	shalt  }
0x59: {  	_ =	shalt  }
0x5a: {  	_ =	shalt  }
0x5b: {  	_ =	shalt  }
0x5c: {  	_ =	shalt  }
0x5d: {  	_ =	shalt  }
0x5e: {  	_ =	shalt  }
0x5f: {  	_ =	shalt  }
0x60: {  	_ =	shalt  }
0x61: {  	_ =	shalt  }
0x62: {  	_ =	shalt  }
0x63: {  	_ =	shalt  }
0x64: {  	_ =	shalt  }
0x65: {  	_ =	shalt  }
0x66: {  	_ =	shalt  }
0x67: {  	_ =	shalt  }
0x68: {  	_ =	shalt  }
0x69: {  	_ =	shalt  }
0x6a: {  	_ =	shalt  }
0x6b: {  	_ =	shalt  }
0x6c: {  	_ =	shalt  }
0x6d: {  	_ =	shalt  }
0x6e: {  	_ =	shalt  }
0x6f: {  	_ =	shalt  }
0x70: {  	_ =	shalt  }
0x71: {  	_ =	shalt  }
0x72: {  	_ =	shalt  }
0x73: {  	_ =	shalt  }
0x74: {  	_ =	shalt  }
0x75: {  	_ =	shalt  }
0x76: {  	_ =	shalt  }
0x77: {  	_ =	shalt  }
0x78: {  	_ =	shalt  }
0x79: {  	_ =	shalt  }
0x7a: {  	_ =	shalt  }
0x7b: {  	_ =	shalt  }
0x7c: {  	_ =	shalt  }
0x7d: {  	_ =	shalt  }
0x7e: {  	_ =	shalt  }
0x7f: {  	_ =	shalt  }
0x80: {  	_ =	shalt  }
0x81: {  	_ =	shalt  }
0x82: {  	_ =	shalt  }
0x83: {  	_ =	shalt  }
0x84: {  	_ =	shalt  }
0x85: {  	_ =	shalt  }
0x86: {  	_ =	shalt  }
0x87: {  	_ =	shalt  }
.Lfunc_end0:
.L_simem_size_0:
called_computation.1_lowered:
.L_overlay_start_0:
0x88: {  	s2 =	sld [smem:$0x3FD9]  }
0x89: {  	s3 =	sld [smem:$0x3FFE];
	_ =	sdelay $0x1  }
0x8a: {  	s1 =	srdreg.scid  }
0x8b: {  	s0 =	sand.u32 $0x1, s1  }
0x8c: {  	s17 =	sshll.u32 s0, $0xA;
	s2 =	sadd.s32 s3, s2  }
0x8d: {  	s2 =	sadd.s32 s2, s17  }
0x8e: {  	[smem:$0x3FC4] =	sst s2  }
0x8f: {  	_ = 	snop  }
0x90: {  	s2 =	sld [smem:$0x3FD0];
	(tm) =	ssettm $0x1  }
0x91: {  	s18 =	sld [smem:$0x3FFB];
	_ =	sdelay $0x3  }
0x92: {  	_ =	strace s18  }
0x93: {  	s3 =	sld [smem:$0x3FFC];
	_ =	sdelay $0x3  }
0x94: {  	_ =	strace s3  }
0x95: {  	s3 =	sld [smem:$0x3FFD];
	_ =	sdelay $0x3  }
0x96: {  	_ =	strace s3  }
0x97: {  	_ =	strace $0x8FFFFFFF  }
0x98: {  	s19 =	sld [smem:$0x3FDB];
	_ =	sdelay $0x1  }
0x99: {  	s4 =	simm.s32 $_scs_section_size  }
0x9a: {  	s5 =	simm.s32 $_size__tile_overlayer_lowered;
	s6 =	simm.s32 $_tile_overlayer_lowered  }
0x9b: {  	s22 =	simm.s32 $0x1BFF;
	s21 =	sshll.u32 s6, $0x1;
	s3 =	sadd.s32 s4, s19  }
0x9c: {  	s7 =	simm.s32 $0x0;
	s20 =	sshll.u32 s5, $0x1;
	s5 =	sadd.s32 s21, s3  }
0x9d: {  	[timem:s7], [sflag:s22] =	dma.local [hbm:s5], s20  }
0x9e: {  	_ =	swait.ge [sflag:s22], s20  }
0x9f: {  	s4 =	ssub.s32 $0x0, s20;
	[sflag:s22] =	ssyncset.done $0x0  }
0xa0: {  	[sflag:s22] =	ssyncadd.s32 s4;
	_ =	sdelay $0x1  }
0xa1: {  	s23 =	simm.s32 $0x1B8B  }
0xa2: {  	_ =	swait.ge [sflag:s23], $0x1  }
0xa3: {  	[sflag:s23] =	ssyncset.done $0x0  }
0xa4: {  	s25 =	simm.s32 $0x1B8E;
	s24 =	sld [smem:$0x3FFE];
	[sflag:s23] =	ssyncadd.s32 $0xFFFFFFFF  }
0xa5: {  	s26 =	simm.s32 $execute0_lowered;
	[smem:$0x3FD2] =	sst s25  }
0xa6: {  	s5 =	sshll.u32 s26, $0x1;
	_ =	strace $0x80000049;
	[dreg:$0x1] =	wrdreg $0xFFFFFFFF  }
0xa7: {  	s28 =	simm.s32 $_size_execute0_lowered;
	s3 =	sadd.s32 s3, s5;
	[dreg:$0x0] =	wrdreg $0x0  }
0xa8: {  	s5 =	sshll.u32 s28, $0x1;
	[dreg:$0x2] =	wrdreg s3  }
0xa9: {  	[dreg:$0x3] =	wrdreg s5  }
0xaa: {  	[dreg:$0x4] =	wrdreg $0xC0  }
0xab: {  	_ =	task [dreg:s7], $0x5FFFF  }
0xac: {  	[dreg:$0x1] =	wrdreg $0xFFFFFFFF  }
0xad: {  	[dreg:$0x0] =	wrdreg $0x60  }
0xae: {  	[dreg:$0x2] =	wrdreg s24  }
0xaf: {  	[dreg:$0x3] =	wrdreg s2  }
0xb0: {  	[dreg:$0x4] =	wrdreg $0x9  }
0xb1: {  	_ =	task.clear_ibuf [dreg:s7], $0x5FFFF;
	_ =	strace $0x90000049  }
0xb2: {  	s29 =	simm.s32 $0x9;
	_ =	strace $0x8000004B  }
0xb3: {  	_ =	swait.ge [sflag:s29], $0x1  }
0xb4: {  	[sflag:s29] =	ssyncadd.s32 $0xFFFFFFFF  }
0xb5: {  	_ =	strace $0x9000004B  }
0xb6: {  	_ =	sfence  }
0xb7: {  	s30 =	sld [smem:$0x0];
	_ =	sdelay $0x2  }
0xb8: {  	s31 =	sshll.u32 s1, $0xD;
	s1 =	sshrl.u32 s1, $0x2  }
0xb9: {  	s3 =	sand.u32 $0x4000, s31;
	s1 =	sadd.s32 s1, s30  }
0xba: {  	s0 =	sor.u32 s3, s0;
	s1 =	sshll.u32 s1, $0x11  }
0xbb: {  	s0 =	sor.u32 s1, s0  }
0xbc: {  	s0 =	sadd.s32 $0x8F2B, s0  }
0xbd: {  	[sflag:s0] =	ssyncadd.remote.s32 $0x1  }
0xbe: {  	_ =	sfence.sel $0xFFFF  }
0xbf: {  	[dreg:$0x0] =	wrdreg $0xFFFFFFFF;
	(pc) =	sbr.abs _section_cstart, $3  }
0xc0: {  	[dreg:$0x1] =	wrdreg $0xFFFFFFFF  }
0xc1: {  	_ =	task.clear_ibuf [dreg:s7], $0x2FFFF;
	_ =	strace $0x9FFFFFFF  }
0xc2: {  	(tm) =	ssettm $0x7FFFFFFF  }
0xc3: {  	_ =	shalt  }
tec
execute0_lowered:
.L_overlay_start_1:
0x0: {  	(tag) =	ssettag $0x1  }
0x1: {  	s2 =	srdreg.scid;
	s1 =	rddreg [dreg:$0x0]  }
0x2: {  	s3 =	rddreg [dreg:$0x1];
	s4 =	sand.u32 $0x1, s2;
	s2 =	simm.s32 $0x0  }
0x3: {  	s0 =	stileid.u32;
	s25 =	simm.s32 $0x880;
	[smem:$0x7FF] =	sst s2  }
0x4: {  	s26 =	simm.s32 $0x1080;
	_ =	strace $0x8000004A;
	[dreg:$0x5] =	wrdreg s25  }
0x5: {  	s5 =	sshll.u32 s0, $0x5;
	s0 =	simm.s32 $0x1880;
	[dreg:$0x6] =	wrdreg s26  }
0x6: {  	s7 =	simm.s32 $0x3080;
	[dreg:$0x7] =	wrdreg s0  }
0x7: {  	s8 =	simm.s32 $0x3880;
	[dreg:$0xa] =	wrdreg s7  }
0x8: {  	s9 =	simm.s32 $0x4080;
	[dreg:$0xb] =	wrdreg s8  }
0x9: {  	s10 =	simm.s32 $0x4880;
	[dreg:$0xc] =	wrdreg s9  }
0xa: {  	s11 =	simm.s32 $0x5080;
	[dreg:$0xd] =	wrdreg s10  }
0xb: {  	s12 =	simm.s32 $0x5880;
	[dreg:$0xe] =	wrdreg s11  }
0xc: {  	s13 =	simm.s32 $0x6080;
	[dreg:$0xf] =	wrdreg s12  }
0xd: {  	s14 =	simm.s32 $0x6880;
	[dreg:$0x10] =	wrdreg s13  }
0xe: {  	s15 =	simm.s32 $0x7080;
	[dreg:$0x11] =	wrdreg s14  }
0xf: {  	s16 =	simm.s32 $0x7880;
	s17 =	simm.s32 $0x8080;
	[dreg:$0x12] =	wrdreg s15  }
0x10: {  	s18 =	simm.s32 $0x8880;
	s19 =	simm.s32 $0x9080;
	[dreg:$0x13] =	wrdreg s16  }
0x11: {  	s21 =	simm.s32 $0x9880;
	s22 =	simm.s32 $0xA080;
	[dreg:$0x14] =	wrdreg s17  }
0x12: {  	s23 =	simm.s32 $0xB080;
	s24 =	simm.s32 $0xB880;
	[dreg:$0x15] =	wrdreg s18  }
0x13: {  	s28 =	simm.s32 $0x16080;
	s29 =	simm.s32 $0x16880;
	[dreg:$0x16] =	wrdreg s19  }
0x14: {  	s30 =	simm.s32 $0x17080;
	s31 =	simm.s32 $0x17880;
	[dreg:$0x17] =	wrdreg s21  }
0x15: {  	s6 =	sshll.u32 s4, $0x4;
	s4 =	ssub.s32 $0x2, s4;
	[dreg:$0x18] =	wrdreg s22  }
0x16: {  	s5 =	sor.u32 s6, s5;
	s20 =	sshrl.u32 s4, $0x1;
	[dreg:$0x1a] =	wrdreg s23  }
0x17: {  	s7 =	simm.s32 $0xA880;
	[dreg:$0x1b] =	wrdreg s24;
	s25 =	simm.s32 $0xC080  }
0x18: {  	s8 =	simm.s32 $0x80;
	s26 =	simm.s32 $0xC880;
	s10 =	simm.s32 $0xD880  }
0x19: {  	s11 =	simm.s32 $0xE080;
	s12 =	simm.s32 $0xE880;
	s13 =	simm.s32 $0xF080  }
0x1a: {  	s14 =	simm.s32 $0xF880;
	s15 =	simm.s32 $0x10080;
	s16 =	simm.s32 $0x10880  }
0x1b: {  	s17 =	simm.s32 $0x11080;
	s18 =	simm.s32 $0x11880;
	s19 =	simm.s32 $0x12080  }
0x1c: {  	s21 =	simm.s32 $0x13080;
	s22 =	simm.s32 $0x13880;
	[dreg:$0x19] =	wrdreg s7  }
0x1d: {  	s6 =	sadd.s32 s5, s1;
	s5 =	smul.u32 $0x300, s5;
	[dreg:$0x1c] =	wrdreg s25  }
0x1e: {  	s23 =	simm.s32 $0x14080;
	[dreg:$0x1d] =	wrdreg s26;
	s6 =	sadd.s32 $0xD8E00, s6  }
0x1f: {  	s24 =	simm.s32 $0x14880;
	[dreg:$0x3] =	wrdreg s6;
	s3 =	sadd.s32 s3, s5  }
0x20: {  	s7 =	simm.s32 $0x2;
	s5 =	simm.s32 $0x2080;
	[dreg:$0x4] =	wrdreg s3  }
0x21: {  	s25 =	simm.s32 $0x15080;
	s6 =	simm.s32 $0x2880;
	[dreg:$0x8] =	wrdreg s5  }
0x22: {  	v2 =	vlaneseq.u32;
	s26 =	simm.s32 $0x15880;
	[dreg:$0x9] =	wrdreg s6;
	s3 =	sadd.s32 $0xA00, s1  }
0x23: {  	vm0 =	vmmov $0xffff;
	v1 =	vshrl.u32 v2, $0x3;
	s6 =	ssub.s32 s4, s20;
	s4 =	sadd.s32 $0xB00, s1;
	s5 =	sadd.s32 $0xC00, s1  }
0x24: {  	v0 =	vand.u32 $0x7, v2;
	v2 =	vor.u32 $0x8, v2;
	v1 =	vmul.u32 $0x8, v1;
	s20 =	simm.s32 $0x12880;
	s1 =	simm.s32 $0x1;
	s6 =	smax.u32 s6, $0x1  }
.LBB2_1:
0x25: {  	s0 =	rddreg [dreg:$0x3]  }
0x26: {  	[tilespmem:s2], [sflag:$0x2] =	stream.linear.gather [hbm4b:s0+s2], $0x80, $0x38;
	[tilespmem:$0x18080] =	vst v63  }
0x27: {  	_ =	swait.ge [sflag:s7], $0x80  }
0x28: {  	[sflag:s7] =	ssyncset.done $0x0  }
0x29: {  	[sflag:s7] =	ssyncadd.s32 $0xFFFFFF80  }
0x2a: {  	v3 =	vld [tilespmem:$0x0];
	_ =	sdelay $0x4  }
0x2b: {  	v4 =	vshrl.u32 v3, $0x3  }
0x2c: {  	v4 =	vmul.u32 $0x30, v4  }
0x2d: {  	v3 =	vand.u32 $0x7, v3  }
0x2e: {  	v3 =	vor.u32 v3, v4  }
0x2f: {  	v4 =	vperm.xlane v3, v0;
	_ =	sdelay $0x1  }
0x30: {  	v4 =	vadd.s32 v1, v4;
	_ =	sdelay $0x3  }
0x31: {  	v3 =	vperm.xlane v3, v2  }
0x32: {  	[tilespmem:s8], [sflag:$0x1] =	stream.indirect_vreg.gather [hbm4b:s3+s2], $0x80, v4, vm0, $0xb8;
	[tilespmem:$0x18080] =	vst v63  }
0x33: {  	s0 =	rddreg [dreg:$0x5];
	v3 =	vadd.s32 v1, v3  }
0x34: {  	[tilespmem:s0], [sflag:$0x1] =	stream.indirect_vreg.gather [hbm4b:s4+s2], $0x80, v4, vm0, $0xb8;
	[tilespmem:$0x18080] =	vst v63  }
0x35: {  	s9 =	rddreg [dreg:$0x6]  }
0x36: {  	[tilespmem:s9], [sflag:$0x1] =	stream.indirect_vreg.gather [hbm4b:s5+s2], $0x80, v4, vm0, $0xb8;
	[tilespmem:$0x18080] =	vst v63  }
0x37: {  	s0 =	rddreg [dreg:$0x7]  }
0x38: {  	[tilespmem:s0], [sflag:$0x1] =	stream.indirect_vreg.gather [hbm4b:s3+s2], $0x80, v3, vm0, $0xb8;
	[tilespmem:$0x18080] =	vst v63  }
0x39: {  	s9 =	rddreg [dreg:$0x8]  }
0x3a: {  	[tilespmem:s9], [sflag:$0x1] =	stream.indirect_vreg.gather [hbm4b:s4+s2], $0x80, v3, vm0, $0xb8;
	[tilespmem:$0x18080] =	vst v63  }
0x3b: {  	s0 =	rddreg [dreg:$0x9]  }
0x3c: {  	[tilespmem:s0], [sflag:$0x1] =	stream.indirect_vreg.gather [hbm4b:s5+s2], $0x80, v3, vm0, $0xb8;
	[tilespmem:$0x18080] =	vst v63  }
0x3d: {  	v3 =	vld [tilespmem:$0x10];
	_ =	sdelay $0x4  }
0x3e: {  	v57 =	vshrl.u32 v3, $0x3  }
0x3f: {  	v4 =	vmul.u32 $0x30, v57  }
0x40: {  	v3 =	vand.u32 $0x7, v3  }
0x41: {  	v3 =	vor.u32 v3, v4  }
0x42: {  	v4 =	vperm.xlane v3, v0;
	_ =	sdelay $0x1  }
0x43: {  	v4 =	vadd.s32 v1, v4;
	_ =	sdelay $0x3  }
0x44: {  	s0 =	rddreg [dreg:$0xa];
	v3 =	vperm.xlane v3, v2  }
0x45: {  	[tilespmem:s0], [sflag:$0x1] =	stream.indirect_vreg.gather [hbm4b:s3+s2], $0x80, v4, vm0, $0xb8;
	[tilespmem:$0x18080] =	vst v63  }
0x46: {  	s9 =	rddreg [dreg:$0xb];
	v3 =	vadd.s32 v1, v3  }
0x47: {  	[tilespmem:s9], [sflag:$0x1] =	stream.indirect_vreg.gather [hbm4b:s4+s2], $0x80, v4, vm0, $0xb8;
	[tilespmem:$0x18080] =	vst v63  }
0x48: {  	s0 =	rddreg [dreg:$0xc]  }
0x49: {  	[tilespmem:s0], [sflag:$0x1] =	stream.indirect_vreg.gather [hbm4b:s5+s2], $0x80, v4, vm0, $0xb8;
	[tilespmem:$0x18080] =	vst v63  }
0x4a: {  	s9 =	rddreg [dreg:$0xd]  }
0x4b: {  	[tilespmem:s9], [sflag:$0x1] =	stream.indirect_vreg.gather [hbm4b:s3+s2], $0x80, v3, vm0, $0xb8;
	[tilespmem:$0x18080] =	vst v63  }
0x4c: {  	s0 =	rddreg [dreg:$0xe]  }
0x4d: {  	[tilespmem:s0], [sflag:$0x1] =	stream.indirect_vreg.gather [hbm4b:s4+s2], $0x80, v3, vm0, $0xb8;
	[tilespmem:$0x18080] =	vst v63  }
0x4e: {  	s9 =	rddreg [dreg:$0xf]  }
0x4f: {  	[tilespmem:s9], [sflag:$0x1] =	stream.indirect_vreg.gather [hbm4b:s5+s2], $0x80, v3, vm0, $0xb8;
	[tilespmem:$0x18080] =	vst v63  }
0x50: {  	v3 =	vld [tilespmem:$0x20];
	_ =	sdelay $0x4  }
0x51: {  	v58 =	vshrl.u32 v3, $0x3  }
0x52: {  	v4 =	vmul.u32 $0x30, v58  }
0x53: {  	v3 =	vand.u32 $0x7, v3  }
0x54: {  	v3 =	vor.u32 v3, v4  }
0x55: {  	v4 =	vperm.xlane v3, v0;
	_ =	sdelay $0x1  }
0x56: {  	v4 =	vadd.s32 v1, v4;
	_ =	sdelay $0x3  }
0x57: {  	s0 =	rddreg [dreg:$0x10];
	v3 =	vperm.xlane v3, v2  }
0x58: {  	[tilespmem:s0], [sflag:$0x1] =	stream.indirect_vreg.gather [hbm4b:s3+s2], $0x80, v4, vm0, $0xb8;
	[tilespmem:$0x18080] =	vst v63  }
0x59: {  	s9 =	rddreg [dreg:$0x11];
	v3 =	vadd.s32 v1, v3  }
0x5a: {  	[tilespmem:s9], [sflag:$0x1] =	stream.indirect_vreg.gather [hbm4b:s4+s2], $0x80, v4, vm0, $0xb8;
	[tilespmem:$0x18080] =	vst v63  }
0x5b: {  	s0 =	rddreg [dreg:$0x12]  }
0x5c: {  	[tilespmem:s0], [sflag:$0x1] =	stream.indirect_vreg.gather [hbm4b:s5+s2], $0x80, v4, vm0, $0xb8;
	[tilespmem:$0x18080] =	vst v63  }
0x5d: {  	s9 =	rddreg [dreg:$0x13]  }
0x5e: {  	[tilespmem:s9], [sflag:$0x1] =	stream.indirect_vreg.gather [hbm4b:s3+s2], $0x80, v3, vm0, $0xb8;
	[tilespmem:$0x18080] =	vst v63  }
0x5f: {  	s0 =	rddreg [dreg:$0x14]  }
0x60: {  	[tilespmem:s0], [sflag:$0x1] =	stream.indirect_vreg.gather [hbm4b:s4+s2], $0x80, v3, vm0, $0xb8;
	[tilespmem:$0x18080] =	vst v63  }
0x61: {  	s9 =	rddreg [dreg:$0x15]  }
0x62: {  	[tilespmem:s9], [sflag:$0x1] =	stream.indirect_vreg.gather [hbm4b:s5+s2], $0x80, v3, vm0, $0xb8;
	[tilespmem:$0x18080] =	vst v63  }
0x63: {  	v3 =	vld [tilespmem:$0x30];
	_ =	sdelay $0x4  }
0x64: {  	v59 =	vshrl.u32 v3, $0x3  }
0x65: {  	v4 =	vmul.u32 $0x30, v59  }
0x66: {  	v3 =	vand.u32 $0x7, v3  }
0x67: {  	v3 =	vor.u32 v3, v4  }
0x68: {  	v4 =	vperm.xlane v3, v0;
	_ =	sdelay $0x1  }
0x69: {  	v4 =	vadd.s32 v1, v4;
	_ =	sdelay $0x3  }
0x6a: {  	s0 =	rddreg [dreg:$0x16];
	v3 =	vperm.xlane v3, v2  }
0x6b: {  	[tilespmem:s0], [sflag:$0x1] =	stream.indirect_vreg.gather [hbm4b:s3+s2], $0x80, v4, vm0, $0xb8;
	[tilespmem:$0x18080] =	vst v63  }
0x6c: {  	s9 =	rddreg [dreg:$0x17];
	v3 =	vadd.s32 v1, v3  }
0x6d: {  	[tilespmem:s9], [sflag:$0x1] =	stream.indirect_vreg.gather [hbm4b:s4+s2], $0x80, v4, vm0, $0xb8;
	[tilespmem:$0x18080] =	vst v63  }
0x6e: {  	s0 =	rddreg [dreg:$0x18]  }
0x6f: {  	[tilespmem:s0], [sflag:$0x1] =	stream.indirect_vreg.gather [hbm4b:s5+s2], $0x80, v4, vm0, $0xb8;
	[tilespmem:$0x18080] =	vst v63  }
0x70: {  	s9 =	rddreg [dreg:$0x19]  }
0x71: {  	[tilespmem:s9], [sflag:$0x1] =	stream.indirect_vreg.gather [hbm4b:s3+s2], $0x80, v3, vm0, $0xb8;
	[tilespmem:$0x18080] =	vst v63  }
0x72: {  	s0 =	rddreg [dreg:$0x1a]  }
0x73: {  	[tilespmem:s0], [sflag:$0x1] =	stream.indirect_vreg.gather [hbm4b:s4+s2], $0x80, v3, vm0, $0xb8;
	[tilespmem:$0x18080] =	vst v63  }
0x74: {  	s9 =	rddreg [dreg:$0x1b]  }
0x75: {  	[tilespmem:s9], [sflag:$0x1] =	stream.indirect_vreg.gather [hbm4b:s5+s2], $0x80, v3, vm0, $0xb8;
	[tilespmem:$0x18080] =	vst v63  }
0x76: {  	v3 =	vld [tilespmem:$0x40];
	_ =	sdelay $0x4  }
0x77: {  	v60 =	vshrl.u32 v3, $0x3  }
0x78: {  	v4 =	vmul.u32 $0x30, v60  }
0x79: {  	v3 =	vand.u32 $0x7, v3  }
0x7a: {  	v3 =	vor.u32 v3, v4  }
0x7b: {  	v4 =	vperm.xlane v3, v0;
	_ =	sdelay $0x1  }
0x7c: {  	v4 =	vadd.s32 v1, v4;
	_ =	sdelay $0x3  }
0x7d: {  	s0 =	rddreg [dreg:$0x1c];
	v3 =	vperm.xlane v3, v2  }
0x7e: {  	[tilespmem:s0], [sflag:$0x1] =	stream.indirect_vreg.gather [hbm4b:s3+s2], $0x80, v4, vm0, $0xb8;
	[tilespmem:$0x18080] =	vst v63  }
0x7f: {  	s9 =	rddreg [dreg:$0x1d];
	v3 =	vadd.s32 v1, v3  }
0x80: {  	[tilespmem:s9], [sflag:$0x1] =	stream.indirect_vreg.gather [hbm4b:s4+s2], $0x80, v4, vm0, $0xb8;
	[tilespmem:$0x18080] =	vst v63  }
0x81: {  	s9 =	simm.s32 $0xD080  }
0x82: {  	[tilespmem:s9], [sflag:$0x1] =	stream.indirect_vreg.gather [hbm4b:s5+s2], $0x80, v4, vm0, $0xb8;
	[tilespmem:$0x18080] =	vst v63  }
0x83: {  	_ = 	snop  }
0x84: {  	[tilespmem:s10], [sflag:$0x1] =	stream.indirect_vreg.gather [hbm4b:s3+s2], $0x80, v3, vm0, $0xb8;
	[tilespmem:$0x18080] =	vst v63  }
0x85: {  	_ = 	snop  }
0x86: {  	[tilespmem:s11], [sflag:$0x1] =	stream.indirect_vreg.gather [hbm4b:s4+s2], $0x80, v3, vm0, $0xb8;
	[tilespmem:$0x18080] =	vst v63  }
0x87: {  	_ = 	snop  }
0x88: {  	[tilespmem:s12], [sflag:$0x1] =	stream.indirect_vreg.gather [hbm4b:s5+s2], $0x80, v3, vm0, $0xb8;
	[tilespmem:$0x18080] =	vst v63  }
0x89: {  	v3 =	vld [tilespmem:$0x50];
	_ =	sdelay $0x4  }
0x8a: {  	v61 =	vshrl.u32 v3, $0x3  }
0x8b: {  	v4 =	vmul.u32 $0x30, v61  }
0x8c: {  	v3 =	vand.u32 $0x7, v3  }
0x8d: {  	v3 =	vor.u32 v3, v4  }
0x8e: {  	v4 =	vperm.xlane v3, v0;
	_ =	sdelay $0x1  }
0x8f: {  	v4 =	vadd.s32 v1, v4;
	_ =	sdelay $0x3  }
0x90: {  	v3 =	vperm.xlane v3, v2  }
0x91: {  	[tilespmem:s13], [sflag:$0x1] =	stream.indirect_vreg.gather [hbm4b:s3+s2], $0x80, v4, vm0, $0xb8;
	[tilespmem:$0x18080] =	vst v63  }
0x92: {  	v3 =	vadd.s32 v1, v3  }
0x93: {  	[tilespmem:s14], [sflag:$0x1] =	stream.indirect_vreg.gather [hbm4b:s4+s2], $0x80, v4, vm0, $0xb8;
	[tilespmem:$0x18080] =	vst v63  }
0x94: {  	_ = 	snop  }
0x95: {  	[tilespmem:s15], [sflag:$0x1] =	stream.indirect_vreg.gather [hbm4b:s5+s2], $0x80, v4, vm0, $0xb8;
	[tilespmem:$0x18080] =	vst v63  }
0x96: {  	_ = 	snop  }
0x97: {  	[tilespmem:s16], [sflag:$0x1] =	stream.indirect_vreg.gather [hbm4b:s3+s2], $0x80, v3, vm0, $0xb8;
	[tilespmem:$0x18080] =	vst v63  }
0x98: {  	_ = 	snop  }
0x99: {  	[tilespmem:s17], [sflag:$0x1] =	stream.indirect_vreg.gather [hbm4b:s4+s2], $0x80, v3, vm0, $0xb8;
	[tilespmem:$0x18080] =	vst v63  }
0x9a: {  	_ = 	snop  }
0x9b: {  	[tilespmem:s18], [sflag:$0x1] =	stream.indirect_vreg.gather [hbm4b:s5+s2], $0x80, v3, vm0, $0xb8;
	[tilespmem:$0x18080] =	vst v63  }
0x9c: {  	v3 =	vld [tilespmem:$0x60];
	_ =	sdelay $0x4  }
0x9d: {  	v62 =	vshrl.u32 v3, $0x3  }
0x9e: {  	v4 =	vmul.u32 $0x30, v62  }
0x9f: {  	v3 =	vand.u32 $0x7, v3  }
0xa0: {  	v3 =	vor.u32 v3, v4  }
0xa1: {  	v4 =	vperm.xlane v3, v0;
	_ =	sdelay $0x1  }
0xa2: {  	v4 =	vadd.s32 v1, v4;
	_ =	sdelay $0x3  }
0xa3: {  	v3 =	vperm.xlane v3, v2  }
0xa4: {  	[tilespmem:s19], [sflag:$0x1] =	stream.indirect_vreg.gather [hbm4b:s3+s2], $0x80, v4, vm0, $0xb8;
	[tilespmem:$0x18080] =	vst v63  }
0xa5: {  	v3 =	vadd.s32 v1, v3  }
0xa6: {  	[tilespmem:s20], [sflag:$0x1] =	stream.indirect_vreg.gather [hbm4b:s4+s2], $0x80, v4, vm0, $0xb8;
	[tilespmem:$0x18080] =	vst v63  }
0xa7: {  	_ = 	snop  }
0xa8: {  	[tilespmem:s21], [sflag:$0x1] =	stream.indirect_vreg.gather [hbm4b:s5+s2], $0x80, v4, vm0, $0xb8;
	[tilespmem:$0x18080] =	vst v63  }
0xa9: {  	_ = 	snop  }
0xaa: {  	[tilespmem:s22], [sflag:$0x1] =	stream.indirect_vreg.gather [hbm4b:s3+s2], $0x80, v3, vm0, $0xb8;
	[tilespmem:$0x18080] =	vst v63  }
0xab: {  	_ = 	snop  }
0xac: {  	[tilespmem:s23], [sflag:$0x1] =	stream.indirect_vreg.gather [hbm4b:s4+s2], $0x80, v3, vm0, $0xb8;
	[tilespmem:$0x18080] =	vst v63  }
0xad: {  	_ = 	snop  }
0xae: {  	[tilespmem:s24], [sflag:$0x1] =	stream.indirect_vreg.gather [hbm4b:s5+s2], $0x80, v3, vm0, $0xb8;
	[tilespmem:$0x18080] =	vst v63  }
0xaf: {  	v3 =	vld [tilespmem:$0x70];
	_ =	sdelay $0x4  }
0xb0: {  	v63 =	vshrl.u32 v3, $0x3  }
0xb1: {  	v4 =	vmul.u32 $0x30, v63  }
0xb2: {  	v3 =	vand.u32 $0x7, v3  }
0xb3: {  	v3 =	vor.u32 v3, v4  }
0xb4: {  	v4 =	vperm.xlane v3, v0;
	_ =	sdelay $0x1  }
0xb5: {  	v4 =	vadd.s32 v1, v4;
	_ =	sdelay $0x3  }
0xb6: {  	v3 =	vperm.xlane v3, v2  }
0xb7: {  	[tilespmem:s25], [sflag:$0x1] =	stream.indirect_vreg.gather [hbm4b:s3+s2], $0x80, v4, vm0, $0xb8;
	[tilespmem:$0x18080] =	vst v63  }
0xb8: {  	v3 =	vadd.s32 v1, v3  }
0xb9: {  	[tilespmem:s26], [sflag:$0x1] =	stream.indirect_vreg.gather [hbm4b:s4+s2], $0x80, v4, vm0, $0xb8;
	[tilespmem:$0x18080] =	vst v63  }
0xba: {  	_ = 	snop  }
0xbb: {  	[tilespmem:s28], [sflag:$0x1] =	stream.indirect_vreg.gather [hbm4b:s5+s2], $0x80, v4, vm0, $0xb8;
	[tilespmem:$0x18080] =	vst v63  }
0xbc: {  	_ = 	snop  }
0xbd: {  	[tilespmem:s29], [sflag:$0x1] =	stream.indirect_vreg.gather [hbm4b:s3+s2], $0x80, v3, vm0, $0xb8;
	[tilespmem:$0x18080] =	vst v63  }
0xbe: {  	_ = 	snop  }
0xbf: {  	[tilespmem:s30], [sflag:$0x1] =	stream.indirect_vreg.gather [hbm4b:s4+s2], $0x80, v3, vm0, $0xb8;
	[tilespmem:$0x18080] =	vst v63  }
0xc0: {  	_ = 	snop  }
0xc1: {  	[tilespmem:s31], [sflag:$0x1] =	stream.indirect_vreg.gather [hbm4b:s5+s2], $0x80, v3, vm0, $0xb8;
	[tilespmem:$0x18080] =	vst v63  }
0xc2: {  	_ =	swait.ge [sflag:s1], $0x18000  }
0xc3: {  	p0 =	sne.s32 s6, $0x1;
	[sflag:s1] =	ssyncset.done $0x0  }
.Ltmp0:
0xc4: {  	s9 =	rddreg [dreg:$0x4];
	[sflag:s1] =	ssyncadd.s32 $0xFFFE8000;
	(pc) =	sbr.rel @p0 .LBB2_1-.Ltmp0, $4  }
0xc5: {  	[hbm4b:s9+s2] =	stream.linear.scatter [tilespmem:s8], [sflag:$0x2], $0x18000, $0x38;
	[tilespmem:$0x18080] =	vst v63  }
0xc6: {  	_ =	swait.ge [sflag:s7], $0x18000  }
0xc7: {  	[sflag:s7] =	ssyncset.done $0x0  }
0xc8: {  	s6 =	sadd.s32 $0xFFFFFFFF, s6;
	[sflag:s7] =	ssyncadd.s32 $0xFFFE8000  }
0xc9: {  	_ =	sfence.sel $0x180000  }
0xca: {  	[bflag:$0x0] =	sbarrier.arrive $0xFFFF  }
0xcb: {  	_ =	strace $0x9000004A  }
0xcc: {  	s0 =	stileid.u32;
	[bflag:$0x2] =	sbarrier.arrive $0xFFFF  }
0xcd: {  	p0 =	sne.s32 s0, $0x0;
	s0 =	rddreg [dreg:$0x2]  }
0xce: {  	s0 =	sadd.s32 @!p0 $0x100000, s0  }
0xcf: {  	[sflag:s0] =	ssyncadd.tile.s32 @!p0 $0x1;
	_ =	shalt  }
.Lfunc_end2:
_tile_overlayer_lowered:
.L_overlay_start_2:
0xd0: {  	(tag) =	ssettag $0x2  }
0xd1: {  	s0 =	rddreg [dreg:$0x0];
	s2 =	stileid.u32  }
0xd2: {  	s1 =	rddreg [dreg:$0x1];
	p0 =	sne.s32 s2, $0x0  }
0xd3: {  	s3 =	rddreg [dreg:$0x2];
	[bflag:$0x3] =	sbarrier.arrive $0xFFFF;
	s2 =	simm.s32 @!p0 $0x1C02  }
0xd4: {  	[timem:s3], [sflag:s2] =	dma.local @!p0 [hbm:s0], s1  }
0xd5: {  	s0 =	simm.s32 @!p0 $0x2  }
0xd6: {  	_ =	swait.ge @!p0 [sflag:s0], s1  }
0xd7: {  	s1 =	ssub.s32 @!p0 $0x0, s1;
	[sflag:s0] =	ssyncset.done @!p0 $0x0  }
0xd8: {  	[sflag:s0] =	ssyncadd.s32 @!p0 s1  }
0xd9: {  	[bflag:$0x3] =	sbarrier.arrive $0xFFFF  }
0xda: {  	_ =	shalt  }

</sc_bundles>
